<compile_context>
chip_gen: v7x
topology: tpu7x:2x2x1
jax: 0.10.2.dev20260603
libtpu: 0.0.44.dev20260713+nightly
codegen_flags: <defaults>
</compile_context>

<pallas_src>
import functools

import jax
import jax.numpy as jnp
from jax import lax
from jax.experimental import pallas as pl
from jax.experimental.pallas import tpu as pltpu
from jax.experimental.pallas import tpu_sc as plsc

NC, NS = 2, 16
NW = NC * NS
T = 50
NTOK = 25
DM = 128
NTOKENS = T * NTOK
CH_T = 5
CHUNK = CH_T * NTOK
NCHUNK = NTOKENS // CHUNK
KV = DM // 16


def kernel(x, W, b, space_table, nan_table, pe):
    B = x.shape[0]
    assert B % NW == 0
    bpw = B // NW
    xf = x.reshape(B, NTOKENS * 3)
    Wt = W.T

    mesh = plsc.VectorSubcoreMesh(core_axis_name="c", subcore_axis_name="s")

    @functools.partial(
        pl.kernel,
        out_type=jax.ShapeDtypeStruct((B, NTOKENS, DM), jnp.float32),
        mesh=mesh,
        scratch_types=[
            pltpu.VMEM((NTOKENS * 3,), jnp.float32),
            pltpu.VMEM((3, DM), jnp.float32),
            pltpu.VMEM((T, DM), jnp.float32),
            pltpu.VMEM((NTOK, DM), jnp.float32),
            pltpu.VMEM((NTOK, DM), jnp.float32),
            pltpu.VMEM((2, DM), jnp.float32),
            pltpu.VMEM((DM,), jnp.float32),
            pltpu.VMEM((DM,), jnp.float32),
            pltpu.VMEM((2, CHUNK, DM), jnp.float32),
            pltpu.SemaphoreType.DMA((2,)),
        ],
        compiler_params=pltpu.CompilerParams(use_tc_tiling_on_sc=False,
                                             needs_layout_passes=False),
    )
    def emb_kernel(xf_hbm, wt_hbm, b_hbm, sp_hbm, nan_hbm, pe_hbm, out_hbm,
                   xv, wt_v, pe_v, sp_v, sp2_v, nan_v, b_v, nd_v, obuf, sems):
        wid = lax.axis_index("s") * NC + lax.axis_index("c")

        pltpu.sync_copy(wt_hbm, wt_v)
        pltpu.sync_copy(pe_hbm, pe_v)
        pltpu.sync_copy(sp_hbm, sp_v)
        pltpu.sync_copy(nan_hbm, nan_v)
        pltpu.sync_copy(b_hbm, b_v)

        def prow(j, carry):
            for k in range(KV):
                s = pl.ds(k * 16, 16)
                sp2_v[j, s] = sp_v[j, s] + b_v[s] + nan_v[0, s]
            return carry
        lax.fori_loop(0, NTOK, prow, 0)
        for k in range(KV):
            s = pl.ds(k * 16, 16)
            nd_v[s] = nan_v[1, s] - nan_v[0, s]

        zero16 = jnp.zeros((16,), jnp.float32)
        one16 = jnp.ones((16,), jnp.float32)

        def chunk_iter(it, carry):
            bi = it // NCHUNK
            c = it % NCHUNK
            bidx = wid * bpw + bi
            p = it % 2

            @pl.when(c == 0)
            def _():
                pltpu.sync_copy(xf_hbm.at[bidx], xv)

            @pl.when(it >= 2)
            def _():
                pltpu.make_async_copy(
                    obuf.at[p], out_hbm.at[0, pl.ds(0, CHUNK)], sems.at[p]
                ).wait()

            wv = tuple(wt_v[d, pl.ds(k * 16, 16)]
                       for d in range(3) for k in range(KV))
            ndv = tuple(nd_v[pl.ds(k * 16, 16)] for k in range(KV))

            def tok_body(tj, tcarry):
                wv, ndv = tcarry
                t = c * CH_T + tj // NTOK
                j = tj % NTOK
                g = c * CHUNK + tj
                i0 = jnp.full((16,), g * 3, jnp.int32)
                x0 = plsc.load_gather(xv, [i0])
                x1 = plsc.load_gather(xv, [i0 + 1])
                x2 = plsc.load_gather(xv, [i0 + 2])
                m0 = x0 != x0
                m1 = x1 != x1
                m2 = x2 != x2
                x0c = jnp.where(m0, zero16, x0)
                x1c = jnp.where(m1, zero16, x1)
                x2c = jnp.where(m2, zero16, x2)
                flag = jnp.where(m0 | m1 | m2, one16, zero16)
                for k in range(KV):
                    s = pl.ds(k * 16, 16)
                    o = (pe_v[t, s] + sp2_v[j, s]
                         + x0c * wv[k] + x1c * wv[KV + k] + x2c * wv[2 * KV + k]
                         + flag * ndv[k])
                    obuf[p, tj, s] = o
                return tcarry

            lax.fori_loop(0, CHUNK, tok_body, (wv, ndv))

            pltpu.async_copy(
                obuf.at[p], out_hbm.at[bidx, pl.ds(c * CHUNK, CHUNK)], sems.at[p]
            )
            return carry

        lax.fori_loop(0, bpw * NCHUNK, chunk_iter, 0)

        for p in range(2):
            pltpu.make_async_copy(
                obuf.at[p], out_hbm.at[0, pl.ds(0, CHUNK)], sems.at[p]
            ).wait()

    return emb_kernel(xf, Wt, b, space_table, nan_table, pe)

# --- scband reference (transcript-rebuilt; emitter-appended) ---
"""Pipeline reference for scband-embedding-37039797961071 (READ-ONLY COPY).

The authoritative reference and input builder live on the scoring server;
editing this copy changes nothing except your own understanding.
"""

import jax, jax.numpy as jnp
import numpy as np
import math

TIMESTEPS = 50
N_JOINT = 25
D_JOINT = 3
D_X = 3
D_MODEL = 128
BATCH = 256


def make_pe():
    pe = np.zeros((TIMESTEPS, D_MODEL), dtype=np.float32)
    k = np.arange(0, TIMESTEPS)[:, None].astype(np.float32)
    div_term = np.exp(np.arange(0, D_MODEL, 2).astype(np.float32) * -(math.log(10000.0) / D_MODEL))
    pe[:, 0::2] = np.sin(k * div_term)
    pe[:, 1::2] = np.cos(k * div_term)
    return jnp.asarray(pe)


def setup_inputs(seed: int = 0) -> dict:
    key = jax.random.key(seed)
    k1, k2, k3, k4 = jax.random.split(key, 4)
    x = jax.random.normal(k1, (BATCH, TIMESTEPS, N_JOINT, D_JOINT), dtype=jnp.float32)
    n_token = N_JOINT * D_JOINT // D_X
    W = jax.random.normal(k2, (D_MODEL, D_X), dtype=jnp.float32) * (1.0 / math.sqrt(D_X))
    b = jnp.zeros((D_MODEL,), dtype=jnp.float32)
    space_table = jax.random.normal(k3, (n_token, D_MODEL), dtype=jnp.float32) * 0.02
    nan_table = jax.random.normal(k4, (2, D_MODEL), dtype=jnp.float32) * 0.02
    pe = make_pe()
    return {"x": x, "W": W, "b": b, "space_table": space_table, "nan_table": nan_table, "pe": pe}


def reference(x, W, b, space_table, nan_table, pe):
    bsize, timesteps, n_joint, d_joint = x.shape
    n_token = n_joint * d_joint // D_X
    # time embedding: arange(T).view(1,-1,1).repeat(b,1,n_token).view(b,-1) -> pe gather
    time_idx = jnp.tile(jnp.arange(timesteps, dtype=jnp.int32)[None, :, None], (bsize, 1, n_token)).reshape(bsize, -1)
    time_emb = jnp.take(pe, time_idx, axis=0)
    # space embedding: arange(n_token).repeat(b, T) -> table gather
    space_idx = jnp.tile(jnp.arange(n_token, dtype=jnp.int32)[None, :], (bsize, timesteps))
    space_emb = jnp.take(space_table, space_idx, axis=0)
    # nan embedding
    nan_idx = jnp.any(jnp.isnan(x).reshape(bsize, -1, D_X), axis=-1).astype(jnp.int32)
    nan_emb = jnp.take(nan_table, nan_idx, axis=0)
    # linear projection of tokens
    xl = jnp.nan_to_num(x).reshape(bsize, -1, D_X) @ W.T + b
    emb = xl + time_emb + space_emb + nan_emb
    return emb

if __name__ == "__main__":
    import jax
    _d = setup_inputs()
    print(jax.jit(kernel)(*tuple(_d.values())))

</pallas_src>

<mosaic_0001>
#map = affine_map<(d0, d1) -> (0, 0)>
#map1 = affine_map<(d0, d1) -> (0)>
#map2 = affine_map<(d0, d1) -> (0, 0, 0)>
module attributes {stable_mosaic.version = 14 : i64} {
  func.func @emb_kernel(%arg0: i32, %arg1: i32, %arg2: memref<256x3750xf32, #tpu.memory_space<hbm>>, %arg3: memref<3x128xf32, #tpu.memory_space<hbm>>, %arg4: memref<128xf32, #tpu.memory_space<hbm>>, %arg5: memref<25x128xf32, #tpu.memory_space<hbm>>, %arg6: memref<2x128xf32, #tpu.memory_space<hbm>>, %arg7: memref<50x128xf32, #tpu.memory_space<hbm>>, %arg8: memref<256x1250x128xf32, #tpu.memory_space<hbm>>, %arg9: memref<3750xf32, #tpu.memory_space<vmem>>, %arg10: memref<3x128xf32, #tpu.memory_space<vmem>>, %arg11: memref<50x128xf32, #tpu.memory_space<vmem>>, %arg12: memref<25x128xf32, #tpu.memory_space<vmem>>, %arg13: memref<25x128xf32, #tpu.memory_space<vmem>>, %arg14: memref<2x128xf32, #tpu.memory_space<vmem>>, %arg15: memref<128xf32, #tpu.memory_space<vmem>>, %arg16: memref<128xf32, #tpu.memory_space<vmem>>, %arg17: memref<2x125x128xf32, #tpu.memory_space<vmem>>, %arg18: memref<2x!tpu.dma_semaphore, #tpu.memory_space<semaphore_mem>>) attributes {dimension_semantics = [#tpu.dimension_semantics<core_parallel>, #tpu.dimension_semantics<subcore_parallel>], iteration_bounds = array<i64: 2, 16>, scalar_prefetch = 0 : i64, scratch_operands = 10 : i64, tpu.core_type = #tpu.core_type<sc_vector_subcore>, window_params = [{transform_indices = #map}, {transform_indices = #map}, {transform_indices = #map1}, {transform_indices = #map}, {transform_indices = #map}, {transform_indices = #map}, {transform_indices = #map2}]} {
    %mul3A = arith.constant 2 : i32
    %mul3A_0 = arith.muli %arg1, %mul3A : i32
    %add3A = arith.addi %mul3A_0, %arg0 : i32
    "tpu.region"() ({
      %run_scoped3A = tpu.sem_alloc : memref<!tpu.dma_semaphore, #tpu.memory_space<semaphore_mem>>
      tpu.enqueue_dma source(%arg3 : memref<3x128xf32, #tpu.memory_space<hbm>>) target(%arg10 : memref<3x128xf32, #tpu.memory_space<vmem>>) target_semaphore(%run_scoped3A : memref<!tpu.dma_semaphore, #tpu.memory_space<semaphore_mem>>)
      tpu.wait_dma2 semaphore(%run_scoped3A : memref<!tpu.dma_semaphore, #tpu.memory_space<semaphore_mem>>) src(%arg3 : memref<3x128xf32, #tpu.memory_space<hbm>>) dst(%arg10 : memref<3x128xf32, #tpu.memory_space<vmem>>)
      tpu.yield
    }) : () -> ()
    "tpu.region"() ({
      %run_scoped3A = tpu.sem_alloc : memref<!tpu.dma_semaphore, #tpu.memory_space<semaphore_mem>>
      tpu.enqueue_dma source(%arg7 : memref<50x128xf32, #tpu.memory_space<hbm>>) target(%arg11 : memref<50x128xf32, #tpu.memory_space<vmem>>) target_semaphore(%run_scoped3A : memref<!tpu.dma_semaphore, #tpu.memory_space<semaphore_mem>>)
      tpu.wait_dma2 semaphore(%run_scoped3A : memref<!tpu.dma_semaphore, #tpu.memory_space<semaphore_mem>>) src(%arg7 : memref<50x128xf32, #tpu.memory_space<hbm>>) dst(%arg11 : memref<50x128xf32, #tpu.memory_space<vmem>>)
      tpu.yield
    }) : () -> ()
    "tpu.region"() ({
      %run_scoped3A = tpu.sem_alloc : memref<!tpu.dma_semaphore, #tpu.memory_space<semaphore_mem>>
      tpu.enqueue_dma source(%arg5 : memref<25x128xf32, #tpu.memory_space<hbm>>) target(%arg12 : memref<25x128xf32, #tpu.memory_space<vmem>>) target_semaphore(%run_scoped3A : memref<!tpu.dma_semaphore, #tpu.memory_space<semaphore_mem>>)
      tpu.wait_dma2 semaphore(%run_scoped3A : memref<!tpu.dma_semaphore, #tpu.memory_space<semaphore_mem>>) src(%arg5 : memref<25x128xf32, #tpu.memory_space<hbm>>) dst(%arg12 : memref<25x128xf32, #tpu.memory_space<vmem>>)
      tpu.yield
    }) : () -> ()
    "tpu.region"() ({
      %run_scoped3A = tpu.sem_alloc : memref<!tpu.dma_semaphore, #tpu.memory_space<semaphore_mem>>
      tpu.enqueue_dma source(%arg6 : memref<2x128xf32, #tpu.memory_space<hbm>>) target(%arg14 : memref<2x128xf32, #tpu.memory_space<vmem>>) target_semaphore(%run_scoped3A : memref<!tpu.dma_semaphore, #tpu.memory_space<semaphore_mem>>)
      tpu.wait_dma2 semaphore(%run_scoped3A : memref<!tpu.dma_semaphore, #tpu.memory_space<semaphore_mem>>) src(%arg6 : memref<2x128xf32, #tpu.memory_space<hbm>>) dst(%arg14 : memref<2x128xf32, #tpu.memory_space<vmem>>)
      tpu.yield
    }) : () -> ()
    "tpu.region"() ({
      %run_scoped3A = tpu.sem_alloc : memref<!tpu.dma_semaphore, #tpu.memory_space<semaphore_mem>>
      tpu.enqueue_dma source(%arg4 : memref<128xf32, #tpu.memory_space<hbm>>) target(%arg15 : memref<128xf32, #tpu.memory_space<vmem>>) target_semaphore(%run_scoped3A : memref<!tpu.dma_semaphore, #tpu.memory_space<semaphore_mem>>)
      tpu.wait_dma2 semaphore(%run_scoped3A : memref<!tpu.dma_semaphore, #tpu.memory_space<semaphore_mem>>) src(%arg4 : memref<128xf32, #tpu.memory_space<hbm>>) dst(%arg15 : memref<128xf32, #tpu.memory_space<vmem>>)
      tpu.yield
    }) : () -> ()
    %scan3A = arith.constant 0 : i32
    %scan3A_1 = arith.constant 0 : i32
    %scan3A_2 = arith.constant 25 : i32
    %scan3A_3 = arith.addi %scan3A_1, %scan3A_2 : i32
    %scan3A_4 = arith.constant 1 : i32
    scf.for %scan3A_141 = %scan3A_1 to %scan3A_3 step %scan3A_4  : i32 {
      %get3A_142 = arith.index_cast %scan3A_141 : i32 to index
      %get3A_143 = arith.constant 0 : index
      %get3A_144 = tpu.vector_load %arg12[%get3A_142, %get3A_143] {strides = array<i32>} : memref<25x128xf32, #tpu.memory_space<vmem>>, vector<16xf32>,
      %get3A_145 = arith.constant 0 : index
      %get3A_146 = tpu.vector_load %arg15[%get3A_145] {strides = array<i32>} : memref<128xf32, #tpu.memory_space<vmem>>, vector<16xf32>,
      %add3A_147 = arith.addf %get3A_144, %get3A_146 : vector<16xf32>
      %get3A_148 = arith.constant 0 : i32
      %get3A_149 = arith.index_cast %get3A_148 : i32 to index
      %get3A_150 = arith.constant 0 : index
      %get3A_151 = tpu.vector_load %arg14[%get3A_149, %get3A_150] {strides = array<i32>} : memref<2x128xf32, #tpu.memory_space<vmem>>, vector<16xf32>,
      %add3A_152 = arith.addf %add3A_147, %get3A_151 : vector<16xf32>
      %swap3A_153 = arith.index_cast %scan3A_141 : i32 to index
      %swap3A_154 = arith.constant 0 : index
      %swap3A_155 = tpu.vector_load %arg13[%swap3A_153, %swap3A_154] {strides = array<i32>} : memref<25x128xf32, #tpu.memory_space<vmem>>, vector<16xf32>,
      tpu.vector_store %arg13[%swap3A_153, %swap3A_154], %add3A_152 {strides = array<i32>} : memref<25x128xf32, #tpu.memory_space<vmem>>, vector<16xf32>,
      %get3A_156 = arith.index_cast %scan3A_141 : i32 to index
      %get3A_157 = arith.constant 16 : index
      %get3A_158 = tpu.vector_load %arg12[%get3A_156, %get3A_157] {strides = array<i32>} : memref<25x128xf32, #tpu.memory_space<vmem>>, vector<16xf32>,
      %get3A_159 = arith.constant 16 : index
      %get3A_160 = tpu.vector_load %arg15[%get3A_159] {strides = array<i32>} : memref<128xf32, #tpu.memory_space<vmem>>, vector<16xf32>,
      %add3A_161 = arith.addf %get3A_158, %get3A_160 : vector<16xf32>
      %get3A_162 = arith.constant 0 : i32
      %get3A_163 = arith.index_cast %get3A_162 : i32 to index
      %get3A_164 = arith.constant 16 : index
      %get3A_165 = tpu.vector_load %arg14[%get3A_163, %get3A_164] {strides = array<i32>} : memref<2x128xf32, #tpu.memory_space<vmem>>, vector<16xf32>,
      %add3A_166 = arith.addf %add3A_161, %get3A_165 : vector<16xf32>
      %swap3A_167 = arith.index_cast %scan3A_141 : i32 to index
      %swap3A_168 = arith.constant 16 : index
      %swap3A_169 = tpu.vector_load %arg13[%swap3A_167, %swap3A_168] {strides = array<i32>} : memref<25x128xf32, #tpu.memory_space<vmem>>, vector<16xf32>,
      tpu.vector_store %arg13[%swap3A_167, %swap3A_168], %add3A_166 {strides = array<i32>} : memref<25x128xf32, #tpu.memory_space<vmem>>, vector<16xf32>,
      %get3A_170 = arith.index_cast %scan3A_141 : i32 to index
      %get3A_171 = arith.constant 32 : index
      %get3A_172 = tpu.vector_load %arg12[%get3A_170, %get3A_171] {strides = array<i32>} : memref<25x128xf32, #tpu.memory_space<vmem>>, vector<16xf32>,
      %get3A_173 = arith.constant 32 : index
      %get3A_174 = tpu.vector_load %arg15[%get3A_173] {strides = array<i32>} : memref<128xf32, #tpu.memory_space<vmem>>, vector<16xf32>,
      %add3A_175 = arith.addf %get3A_172, %get3A_174 : vector<16xf32>
      %get3A_176 = arith.constant 0 : i32
      %get3A_177 = arith.index_cast %get3A_176 : i32 to index
      %get3A_178 = arith.constant 32 : index
      %get3A_179 = tpu.vector_load %arg14[%get3A_177, %get3A_178] {strides = array<i32>} : memref<2x128xf32, #tpu.memory_space<vmem>>, vector<16xf32>,
      %add3A_180 = arith.addf %add3A_175, %get3A_179 : vector<16xf32>
      %swap3A_181 = arith.index_cast %scan3A_141 : i32 to index
      %swap3A_182 = arith.constant 32 : index
      %swap3A_183 = tpu.vector_load %arg13[%swap3A_181, %swap3A_182] {strides = array<i32>} : memref<25x128xf32, #tpu.memory_space<vmem>>, vector<16xf32>,
      tpu.vector_store %arg13[%swap3A_181, %swap3A_182], %add3A_180 {strides = array<i32>} : memref<25x128xf32, #tpu.memory_space<vmem>>, vector<16xf32>,
      %get3A_184 = arith.index_cast %scan3A_141 : i32 to index
      %get3A_185 = arith.constant 48 : index
      %get3A_186 = tpu.vector_load %arg12[%get3A_184, %get3A_185] {strides = array<i32>} : memref<25x128xf32, #tpu.memory_space<vmem>>, vector<16xf32>,
      %get3A_187 = arith.constant 48 : index
      %get3A_188 = tpu.vector_load %arg15[%get3A_187] {strides = array<i32>} : memref<128xf32, #tpu.memory_space<vmem>>, vector<16xf32>,
      %add3A_189 = arith.addf %get3A_186, %get3A_188 : vector<16xf32>
      %get3A_190 = arith.constant 0 : i32
      %get3A_191 = arith.index_cast %get3A_190 : i32 to index
      %get3A_192 = arith.constant 48 : index
      %get3A_193 = tpu.vector_load %arg14[%get3A_191, %get3A_192] {strides = array<i32>} : memref<2x128xf32, #tpu.memory_space<vmem>>, vector<16xf32>,
      %add3A_194 = arith.addf %add3A_189, %get3A_193 : vector<16xf32>
      %swap3A_195 = arith.index_cast %scan3A_141 : i32 to index
      %swap3A_196 = arith.constant 48 : index
      %swap3A_197 = tpu.vector_load %arg13[%swap3A_195, %swap3A_196] {strides = array<i32>} : memref<25x128xf32, #tpu.memory_space<vmem>>, vector<16xf32>,
      tpu.vector_store %arg13[%swap3A_195, %swap3A_196], %add3A_194 {strides = array<i32>} : memref<25x128xf32, #tpu.memory_space<vmem>>, vector<16xf32>,
      %get3A_198 = arith.index_cast %scan3A_141 : i32 to index
      %get3A_199 = arith.constant 64 : index
      %get3A_200 = tpu.vector_load %arg12[%get3A_198, %get3A_199] {strides = array<i32>} : memref<25x128xf32, #tpu.memory_space<vmem>>, vector<16xf32>,
      %get3A_201 = arith.constant 64 : index
      %get3A_202 = tpu.vector_load %arg15[%get3A_201] {strides = array<i32>} : memref<128xf32, #tpu.memory_space<vmem>>, vector<16xf32>,
      %add3A_203 = arith.addf %get3A_200, %get3A_202 : vector<16xf32>
      %get3A_204 = arith.constant 0 : i32
      %get3A_205 = arith.index_cast %get3A_204 : i32 to index
      %get3A_206 = arith.constant 64 : index
      %get3A_207 = tpu.vector_load %arg14[%get3A_205, %get3A_206] {strides = array<i32>} : memref<2x128xf32, #tpu.memory_space<vmem>>, vector<16xf32>,
      %add3A_208 = arith.addf %add3A_203, %get3A_207 : vector<16xf32>
      %swap3A_209 = arith.index_cast %scan3A_141 : i32 to index
      %swap3A_210 = arith.constant 64 : index
      %swap3A_211 = tpu.vector_load %arg13[%swap3A_209, %swap3A_210] {strides = array<i32>} : memref<25x128xf32, #tpu.memory_space<vmem>>, vector<16xf32>,
      tpu.vector_store %arg13[%swap3A_209, %swap3A_210], %add3A_208 {strides = array<i32>} : memref<25x128xf32, #tpu.memory_space<vmem>>, vector<16xf32>,
      %get3A_212 = arith.index_cast %scan3A_141 : i32 to index
      %get3A_213 = arith.constant 80 : index
      %get3A_214 = tpu.vector_load %arg12[%get3A_212, %get3A_213] {strides = array<i32>} : memref<25x128xf32, #tpu.memory_space<vmem>>, vector<16xf32>,
      %get3A_215 = arith.constant 80 : index
      %get3A_216 = tpu.vector_load %arg15[%get3A_215] {strides = array<i32>} : memref<128xf32, #tpu.memory_space<vmem>>, vector<16xf32>,
      %add3A_217 = arith.addf %get3A_214, %get3A_216 : vector<16xf32>
      %get3A_218 = arith.constant 0 : i32
      %get3A_219 = arith.index_cast %get3A_218 : i32 to index
      %get3A_220 = arith.constant 80 : index
      %get3A_221 = tpu.vector_load %arg14[%get3A_219, %get3A_220] {strides = array<i32>} : memref<2x128xf32, #tpu.memory_space<vmem>>, vector<16xf32>,
      %add3A_222 = arith.addf %add3A_217, %get3A_221 : vector<16xf32>
      %swap3A_223 = arith.index_cast %scan3A_141 : i32 to index
      %swap3A_224 = arith.constant 80 : index
      %swap3A_225 = tpu.vector_load %arg13[%swap3A_223, %swap3A_224] {strides = array<i32>} : memref<25x128xf32, #tpu.memory_space<vmem>>, vector<16xf32>,
      tpu.vector_store %arg13[%swap3A_223, %swap3A_224], %add3A_222 {strides = array<i32>} : memref<25x128xf32, #tpu.memory_space<vmem>>, vector<16xf32>,
      %get3A_226 = arith.index_cast %scan3A_141 : i32 to index
      %get3A_227 = arith.constant 96 : index
      %get3A_228 = tpu.vector_load %arg12[%get3A_226, %get3A_227] {strides = array<i32>} : memref<25x128xf32, #tpu.memory_space<vmem>>, vector<16xf32>,
      %get3A_229 = arith.constant 96 : index
      %get3A_230 = tpu.vector_load %arg15[%get3A_229] {strides = array<i32>} : memref<128xf32, #tpu.memory_space<vmem>>, vector<16xf32>,
      %add3A_231 = arith.addf %get3A_228, %get3A_230 : vector<16xf32>
      %get3A_232 = arith.constant 0 : i32
      %get3A_233 = arith.index_cast %get3A_232 : i32 to index
      %get3A_234 = arith.constant 96 : index
      %get3A_235 = tpu.vector_load %arg14[%get3A_233, %get3A_234] {strides = array<i32>} : memref<2x128xf32, #tpu.memory_space<vmem>>, vector<16xf32>,
      %add3A_236 = arith.addf %add3A_231, %get3A_235 : vector<16xf32>
      %swap3A_237 = arith.index_cast %scan3A_141 : i32 to index
      %swap3A_238 = arith.constant 96 : index
      %swap3A_239 = tpu.vector_load %arg13[%swap3A_237, %swap3A_238] {strides = array<i32>} : memref<25x128xf32, #tpu.memory_space<vmem>>, vector<16xf32>,
      tpu.vector_store %arg13[%swap3A_237, %swap3A_238], %add3A_236 {strides = array<i32>} : memref<25x128xf32, #tpu.memory_space<vmem>>, vector<16xf32>,
      %get3A_240 = arith.index_cast %scan3A_141 : i32 to index
      %get3A_241 = arith.constant 112 : index
      %get3A_242 = tpu.vector_load %arg12[%get3A_240, %get3A_241] {strides = array<i32>} : memref<25x128xf32, #tpu.memory_space<vmem>>, vector<16xf32>,
      %get3A_243 = arith.constant 112 : index
      %get3A_244 = tpu.vector_load %arg15[%get3A_243] {strides = array<i32>} : memref<128xf32, #tpu.memory_space<vmem>>, vector<16xf32>,
      %add3A_245 = arith.addf %get3A_242, %get3A_244 : vector<16xf32>
      %get3A_246 = arith.constant 0 : i32
      %get3A_247 = arith.index_cast %get3A_246 : i32 to index
      %get3A_248 = arith.constant 112 : index
      %get3A_249 = tpu.vector_load %arg14[%get3A_247, %get3A_248] {strides = array<i32>} : memref<2x128xf32, #tpu.memory_space<vmem>>, vector<16xf32>,
      %add3A_250 = arith.addf %add3A_245, %get3A_249 : vector<16xf32>
      %swap3A_251 = arith.index_cast %scan3A_141 : i32 to index
      %swap3A_252 = arith.constant 112 : index
      %swap3A_253 = tpu.vector_load %arg13[%swap3A_251, %swap3A_252] {strides = array<i32>} : memref<25x128xf32, #tpu.memory_space<vmem>>, vector<16xf32>,
      tpu.vector_store %arg13[%swap3A_251, %swap3A_252], %add3A_250 {strides = array<i32>} : memref<25x128xf32, #tpu.memory_space<vmem>>, vector<16xf32>,
    }
    %scan3A_5 = arith.constant 25 : i32
    %get3A = arith.constant 1 : i32
    %get3A_6 = arith.index_cast %get3A : i32 to index
    %get3A_7 = arith.constant 0 : index
    %get3A_8 = tpu.vector_load %arg14[%get3A_6, %get3A_7] {strides = array<i32>} : memref<2x128xf32, #tpu.memory_space<vmem>>, vector<16xf32>,
    %get3A_9 = arith.constant 0 : i32
    %get3A_10 = arith.index_cast %get3A_9 : i32 to index
    %get3A_11 = arith.constant 0 : index
    %get3A_12 = tpu.vector_load %arg14[%get3A_10, %get3A_11] {strides = array<i32>} : memref<2x128xf32, #tpu.memory_space<vmem>>, vector<16xf32>,
    %sub3A = arith.subf %get3A_8, %get3A_12 : vector<16xf32>
    %swap3A = arith.constant 0 : index
    %swap3A_13 = tpu.vector_load %arg16[%swap3A] {strides = array<i32>} : memref<128xf32, #tpu.memory_space<vmem>>, vector<16xf32>,
    tpu.vector_store %arg16[%swap3A], %sub3A {strides = array<i32>} : memref<128xf32, #tpu.memory_space<vmem>>, vector<16xf32>,
    %get3A_14 = arith.constant 1 : i32
    %get3A_15 = arith.index_cast %get3A_14 : i32 to index
    %get3A_16 = arith.constant 16 : index
    %get3A_17 = tpu.vector_load %arg14[%get3A_15, %get3A_16] {strides = array<i32>} : memref<2x128xf32, #tpu.memory_space<vmem>>, vector<16xf32>,
    %get3A_18 = arith.constant 0 : i32
    %get3A_19 = arith.index_cast %get3A_18 : i32 to index
    %get3A_20 = arith.constant 16 : index
    %get3A_21 = tpu.vector_load %arg14[%get3A_19, %get3A_20] {strides = array<i32>} : memref<2x128xf32, #tpu.memory_space<vmem>>, vector<16xf32>,
    %sub3A_22 = arith.subf %get3A_17, %get3A_21 : vector<16xf32>
    %swap3A_23 = arith.constant 16 : index
    %swap3A_24 = tpu.vector_load %arg16[%swap3A_23] {strides = array<i32>} : memref<128xf32, #tpu.memory_space<vmem>>, vector<16xf32>,
    tpu.vector_store %arg16[%swap3A_23], %sub3A_22 {strides = array<i32>} : memref<128xf32, #tpu.memory_space<vmem>>, vector<16xf32>,
    %get3A_25 = arith.constant 1 : i32
    %get3A_26 = arith.index_cast %get3A_25 : i32 to index
    %get3A_27 = arith.constant 32 : index
    %get3A_28 = tpu.vector_load %arg14[%get3A_26, %get3A_27] {strides = array<i32>} : memref<2x128xf32, #tpu.memory_space<vmem>>, vector<16xf32>,
    %get3A_29 = arith.constant 0 : i32
    %get3A_30 = arith.index_cast %get3A_29 : i32 to index
    %get3A_31 = arith.constant 32 : index
    %get3A_32 = tpu.vector_load %arg14[%get3A_30, %get3A_31] {strides = array<i32>} : memref<2x128xf32, #tpu.memory_space<vmem>>, vector<16xf32>,
    %sub3A_33 = arith.subf %get3A_28, %get3A_32 : vector<16xf32>
    %swap3A_34 = arith.constant 32 : index
    %swap3A_35 = tpu.vector_load %arg16[%swap3A_34] {strides = array<i32>} : memref<128xf32, #tpu.memory_space<vmem>>, vector<16xf32>,
    tpu.vector_store %arg16[%swap3A_34], %sub3A_33 {strides = array<i32>} : memref<128xf32, #tpu.memory_space<vmem>>, vector<16xf32>,
    %get3A_36 = arith.constant 1 : i32
    %get3A_37 = arith.index_cast %get3A_36 : i32 to index
    %get3A_38 = arith.constant 48 : index
    %get3A_39 = tpu.vector_load %arg14[%get3A_37, %get3A_38] {strides = array<i32>} : memref<2x128xf32, #tpu.memory_space<vmem>>, vector<16xf32>,
    %get3A_40 = arith.constant 0 : i32
    %get3A_41 = arith.index_cast %get3A_40 : i32 to index
    %get3A_42 = arith.constant 48 : index
    %get3A_43 = tpu.vector_load %arg14[%get3A_41, %get3A_42] {strides = array<i32>} : memref<2x128xf32, #tpu.memory_space<vmem>>, vector<16xf32>,
    %sub3A_44 = arith.subf %get3A_39, %get3A_43 : vector<16xf32>
    %swap3A_45 = arith.constant 48 : index
    %swap3A_46 = tpu.vector_load %arg16[%swap3A_45] {strides = array<i32>} : memref<128xf32, #tpu.memory_space<vmem>>, vector<16xf32>,
    tpu.vector_store %arg16[%swap3A_45], %sub3A_44 {strides = array<i32>} : memref<128xf32, #tpu.memory_space<vmem>>, vector<16xf32>,
    %get3A_47 = arith.constant 1 : i32
    %get3A_48 = arith.index_cast %get3A_47 : i32 to index
    %get3A_49 = arith.constant 64 : index
    %get3A_50 = tpu.vector_load %arg14[%get3A_48, %get3A_49] {strides = array<i32>} : memref<2x128xf32, #tpu.memory_space<vmem>>, vector<16xf32>,
    %get3A_51 = arith.constant 0 : i32
    %get3A_52 = arith.index_cast %get3A_51 : i32 to index
    %get3A_53 = arith.constant 64 : index
    %get3A_54 = tpu.vector_load %arg14[%get3A_52, %get3A_53] {strides = array<i32>} : memref<2x128xf32, #tpu.memory_space<vmem>>, vector<16xf32>,
    %sub3A_55 = arith.subf %get3A_50, %get3A_54 : vector<16xf32>
    %swap3A_56 = arith.constant 64 : index
    %swap3A_57 = tpu.vector_load %arg16[%swap3A_56] {strides = array<i32>} : memref<128xf32, #tpu.memory_space<vmem>>, vector<16xf32>,
    tpu.vector_store %arg16[%swap3A_56], %sub3A_55 {strides = array<i32>} : memref<128xf32, #tpu.memory_space<vmem>>, vector<16xf32>,
    %get3A_58 = arith.constant 1 : i32
    %get3A_59 = arith.index_cast %get3A_58 : i32 to index
    %get3A_60 = arith.constant 80 : index
    %get3A_61 = tpu.vector_load %arg14[%get3A_59, %get3A_60] {strides = array<i32>} : memref<2x128xf32, #tpu.memory_space<vmem>>, vector<16xf32>,
    %get3A_62 = arith.constant 0 : i32
    %get3A_63 = arith.index_cast %get3A_62 : i32 to index
    %get3A_64 = arith.constant 80 : index
    %get3A_65 = tpu.vector_load %arg14[%get3A_63, %get3A_64] {strides = array<i32>} : memref<2x128xf32, #tpu.memory_space<vmem>>, vector<16xf32>,
    %sub3A_66 = arith.subf %get3A_61, %get3A_65 : vector<16xf32>
    %swap3A_67 = arith.constant 80 : index
    %swap3A_68 = tpu.vector_load %arg16[%swap3A_67] {strides = array<i32>} : memref<128xf32, #tpu.memory_space<vmem>>, vector<16xf32>,
    tpu.vector_store %arg16[%swap3A_67], %sub3A_66 {strides = array<i32>} : memref<128xf32, #tpu.memory_space<vmem>>, vector<16xf32>,
    %get3A_69 = arith.constant 1 : i32
    %get3A_70 = arith.index_cast %get3A_69 : i32 to index
    %get3A_71 = arith.constant 96 : index
    %get3A_72 = tpu.vector_load %arg14[%get3A_70, %get3A_71] {strides = array<i32>} : memref<2x128xf32, #tpu.memory_space<vmem>>, vector<16xf32>,
    %get3A_73 = arith.constant 0 : i32
    %get3A_74 = arith.index_cast %get3A_73 : i32 to index
    %get3A_75 = arith.constant 96 : index
    %get3A_76 = tpu.vector_load %arg14[%get3A_74, %get3A_75] {strides = array<i32>} : memref<2x128xf32, #tpu.memory_space<vmem>>, vector<16xf32>,
    %sub3A_77 = arith.subf %get3A_72, %get3A_76 : vector<16xf32>
    %swap3A_78 = arith.constant 96 : index
    %swap3A_79 = tpu.vector_load %arg16[%swap3A_78] {strides = array<i32>} : memref<128xf32, #tpu.memory_space<vmem>>, vector<16xf32>,
    tpu.vector_store %arg16[%swap3A_78], %sub3A_77 {strides = array<i32>} : memref<128xf32, #tpu.memory_space<vmem>>, vector<16xf32>,
    %get3A_80 = arith.constant 1 : i32
    %get3A_81 = arith.index_cast %get3A_80 : i32 to index
    %get3A_82 = arith.constant 112 : index
    %get3A_83 = tpu.vector_load %arg14[%get3A_81, %get3A_82] {strides = array<i32>} : memref<2x128xf32, #tpu.memory_space<vmem>>, vector<16xf32>,
    %get3A_84 = arith.constant 0 : i32
    %get3A_85 = arith.index_cast %get3A_84 : i32 to index
    %get3A_86 = arith.constant 112 : index
    %get3A_87 = tpu.vector_load %arg14[%get3A_85, %get3A_86] {strides = array<i32>} : memref<2x128xf32, #tpu.memory_space<vmem>>, vector<16xf32>,
    %sub3A_88 = arith.subf %get3A_83, %get3A_87 : vector<16xf32>
    %swap3A_89 = arith.constant 112 : index
    %swap3A_90 = tpu.vector_load %arg16[%swap3A_89] {strides = array<i32>} : memref<128xf32, #tpu.memory_space<vmem>>, vector<16xf32>,
    tpu.vector_store %arg16[%swap3A_89], %sub3A_88 {strides = array<i32>} : memref<128xf32, #tpu.memory_space<vmem>>, vector<16xf32>,
    %broadcast_in_dim3A = arith.constant 0.000000e+00 : f32
    %broadcast_in_dim3A_91 = vector.broadcast %broadcast_in_dim3A : f32 to vector<16xf32>
    %broadcast_in_dim3A_92 = arith.constant 1.000000e+00 : f32
    %broadcast_in_dim3A_93 = vector.broadcast %broadcast_in_dim3A_92 : f32 to vector<16xf32>
    %scan3A_94 = arith.constant 0 : i32
    %scan3A_95 = arith.constant 0 : i32
    %scan3A_96 = arith.constant 80 : i32
    %scan3A_97 = arith.addi %scan3A_95, %scan3A_96 : i32
    %scan3A_98 = arith.constant 1 : i32
    scf.for %scan3A_141 = %scan3A_95 to %scan3A_97 step %scan3A_98  : i32 {
      %jit3A = arith.constant 10 : i32
      %div3A = arith.divsi %scan3A_141, %jit3A : i32
      %sign3A = arith.constant 0 : i32
      %sign3A_142 = arith.cmpi sgt, %scan3A_141, %sign3A : i32
      %sign3A_143 = arith.extui %sign3A_142 : i1 to i32
      %sign3A_144 = arith.constant 0 : i32
      %sign3A_145 = arith.cmpi slt, %scan3A_141, %sign3A_144 : i32
      %sign3A_146 = arith.extui %sign3A_145 : i1 to i32
      %sign3A_147 = arith.subi %sign3A_143, %sign3A_146 : i32
      %sign3A_148 = arith.constant 0 : i32
      %sign3A_149 = arith.cmpi sgt, %jit3A, %sign3A_148 : i32
      %sign3A_150 = arith.extui %sign3A_149 : i1 to i32
      %sign3A_151 = arith.constant 0 : i32
      %sign3A_152 = arith.cmpi slt, %jit3A, %sign3A_151 : i32
      %sign3A_153 = arith.extui %sign3A_152 : i1 to i32
      %sign3A_154 = arith.subi %sign3A_150, %sign3A_153 : i32
      %ne3A = arith.cmpi ne, %sign3A_147, %sign3A_154 : i32
      %rem3A = arith.remsi %scan3A_141, %jit3A : i32
      %ne3A_155 = arith.constant 0 : i32
      %ne3A_156 = arith.cmpi ne, %rem3A, %ne3A_155 : i32
      %and3A = arith.andi %ne3A, %ne3A_156 : i1
      %sub3A_157 = arith.constant 1 : i32
      %sub3A_158 = arith.subi %div3A, %sub3A_157 : i32
      %select_n3A = arith.select %and3A, %sub3A_158, %div3A : i32
      %jit3A_159 = arith.constant 10 : i32
      %eq3A = arith.constant 0 : i32
      %eq3A_160 = arith.cmpi eq, %jit3A_159, %eq3A : i32
      %jit3A_161 = arith.constant 1 : i32
      %select_n3A_162 = arith.select %eq3A_160, %jit3A_161, %jit3A_159 : i32
      %rem3A_163 = arith.remsi %scan3A_141, %select_n3A_162 : i32
      %ne3A_164 = arith.constant 0 : i32
      %ne3A_165 = arith.cmpi ne, %rem3A_163, %ne3A_164 : i32
      %lt3A = arith.constant 0 : i32
      %lt3A_166 = arith.cmpi slt, %rem3A_163, %lt3A : i32
      %lt3A_167 = arith.constant 0 : i32
      %lt3A_168 = arith.cmpi slt, %select_n3A_162, %lt3A_167 : i32
      %ne3A_169 = arith.xori %lt3A_166, %lt3A_168 : i1
      %and3A_170 = arith.andi %ne3A_169, %ne3A_165 : i1
      %add3A_171 = arith.addi %rem3A_163, %select_n3A_162 : i32
      %select_n3A_172 = arith.select %and3A_170, %add3A_171, %rem3A_163 : i32
      %mul3A_173 = arith.constant 8 : i32
      %mul3A_174 = arith.muli %add3A, %mul3A_173 : i32
      %add3A_175 = arith.addi %mul3A_174, %select_n3A : i32
      %jit3A_176 = arith.constant 2 : i32
      %eq3A_177 = arith.constant 0 : i32
      %eq3A_178 = arith.cmpi eq, %jit3A_176, %eq3A_177 : i32
      %jit3A_179 = arith.constant 1 : i32
      %select_n3A_180 = arith.select %eq3A_178, %jit3A_179, %jit3A_176 : i32
      %rem3A_181 = arith.remsi %scan3A_141, %select_n3A_180 : i32
      %ne3A_182 = arith.constant 0 : i32
      %ne3A_183 = arith.cmpi ne, %rem3A_181, %ne3A_182 : i32
      %lt3A_184 = arith.constant 0 : i32
      %lt3A_185 = arith.cmpi slt, %rem3A_181, %lt3A_184 : i32
      %lt3A_186 = arith.constant 0 : i32
      %lt3A_187 = arith.cmpi slt, %select_n3A_180, %lt3A_186 : i32
      %ne3A_188 = arith.xori %lt3A_185, %lt3A_187 : i1
      %and3A_189 = arith.andi %ne3A_188, %ne3A_183 : i1
      %add3A_190 = arith.addi %rem3A_181, %select_n3A_180 : i32
      %select_n3A_191 = arith.select %and3A_189, %add3A_190, %rem3A_181 : i32
      %eq3A_192 = arith.constant 0 : i32
      %eq3A_193 = arith.cmpi eq, %select_n3A_172, %eq3A_192 : i32
      %convert_element_type3A = arith.extui %eq3A_193 : i1 to i32
      %cond3A = arith.constant 0 : i32
      %cond3A_194 = arith.cmpi ne, %convert_element_type3A, %cond3A : i32
      scf.if %cond3A_194 {
        "tpu.region"() ({
          %run_scoped3A = tpu.sem_alloc : memref<!tpu.dma_semaphore, #tpu.memory_space<semaphore_mem>>
          %dma_start3A_333 = arith.constant 0 : i32
          %dma_start3A_334 = tpu.memref_slice %arg2[%add3A_175, %dma_start3A_333] : memref<256x3750xf32, #tpu.memory_space<hbm>> -> memref<1x3750xf32, #tpu.memory_space<hbm>>
          %dma_start3A_335 = tpu.memref_squeeze %dma_start3A_334 : memref<1x3750xf32, #tpu.memory_space<hbm>> -> memref<3750xf32, #tpu.memory_space<hbm>>
          %dma_start3A_336 = arith.constant 0 : i32
          %dma_start3A_337 = tpu.memref_slice %arg2[%add3A_175, %dma_start3A_336] : memref<256x3750xf32, #tpu.memory_space<hbm>> -> memref<1x3750xf32, #tpu.memory_space<hbm>>
          %dma_start3A_338 = tpu.memref_squeeze %dma_start3A_337 : memref<1x3750xf32, #tpu.memory_space<hbm>> -> memref<3750xf32, #tpu.memory_space<hbm>>
          tpu.enqueue_dma source(%dma_start3A_338 : memref<3750xf32, #tpu.memory_space<hbm>>) target(%arg9 : memref<3750xf32, #tpu.memory_space<vmem>>) target_semaphore(%run_scoped3A : memref<!tpu.dma_semaphore, #tpu.memory_space<semaphore_mem>>)
          %dma_wait3A_339 = arith.constant 0 : i32
          %dma_wait3A_340 = tpu.memref_slice %arg2[%add3A_175, %dma_wait3A_339] : memref<256x3750xf32, #tpu.memory_space<hbm>> -> memref<1x3750xf32, #tpu.memory_space<hbm>>
          %dma_wait3A_341 = tpu.memref_squeeze %dma_wait3A_340 : memref<1x3750xf32, #tpu.memory_space<hbm>> -> memref<3750xf32, #tpu.memory_space<hbm>>
          %dma_wait3A_342 = arith.constant 0 : i32
          %dma_wait3A_343 = tpu.memref_slice %arg2[%add3A_175, %dma_wait3A_342] : memref<256x3750xf32, #tpu.memory_space<hbm>> -> memref<1x3750xf32, #tpu.memory_space<hbm>>
          %dma_wait3A_344 = tpu.memref_squeeze %dma_wait3A_343 : memref<1x3750xf32, #tpu.memory_space<hbm>> -> memref<3750xf32, #tpu.memory_space<hbm>>
          tpu.wait_dma2 semaphore(%run_scoped3A : memref<!tpu.dma_semaphore, #tpu.memory_space<semaphore_mem>>) src(%dma_wait3A_344 : memref<3750xf32, #tpu.memory_space<hbm>>) dst(%arg9 : memref<3750xf32, #tpu.memory_space<vmem>>)
          tpu.yield
        }) : () -> ()
      } else {
      }
      %ge3A = arith.constant 2 : i32
      %ge3A_195 = arith.cmpi sge, %scan3A_141, %ge3A : i32
      %convert_element_type3A_196 = arith.extui %ge3A_195 : i1 to i32
      %cond3A_197 = arith.constant 0 : i32
      %cond3A_198 = arith.cmpi ne, %convert_element_type3A_196, %cond3A_197 : i32
      scf.if %cond3A_198 {
        %dma_wait3A_333 = arith.constant 0 : i32
        %dma_wait3A_334 = arith.constant 0 : i32
        %dma_wait3A_335 = arith.constant 0 : i32
        %dma_wait3A_336 = tpu.memref_slice %arg17[%select_n3A_191, %dma_wait3A_334, %dma_wait3A_335] : memref<2x125x128xf32, #tpu.memory_space<vmem>> -> memref<1x125x128xf32, #tpu.memory_space<vmem>>
        %dma_wait3A_337 = tpu.memref_squeeze %dma_wait3A_336 : memref<1x125x128xf32, #tpu.memory_space<vmem>> -> memref<125x128xf32, #tpu.memory_space<vmem>>
        %dma_wait3A_338 = arith.constant 0 : i32
        %dma_wait3A_339 = arith.constant 0 : i32
        %dma_wait3A_340 = tpu.memref_slice %arg8[%dma_wait3A_333, %dma_wait3A_338, %dma_wait3A_339] : memref<256x1250x128xf32, #tpu.memory_space<hbm>> -> memref<1x125x128xf32, #tpu.memory_space<hbm>>
        %dma_wait3A_341 = tpu.memref_squeeze %dma_wait3A_340 : memref<1x125x128xf32, #tpu.memory_space<hbm>> -> memref<125x128xf32, #tpu.memory_space<hbm>>
        %dma_wait3A_342 = tpu.memref_slice %arg18[%select_n3A_191] : memref<2x!tpu.dma_semaphore, #tpu.memory_space<semaphore_mem>> -> memref<1x!tpu.dma_semaphore, #tpu.memory_space<semaphore_mem>>
        %dma_wait3A_343 = tpu.memref_squeeze %dma_wait3A_342 : memref<1x!tpu.dma_semaphore, #tpu.memory_space<semaphore_mem>> -> memref<!tpu.dma_semaphore, #tpu.memory_space<semaphore_mem>>
        %dma_wait3A_344 = arith.constant 0 : i32
        %dma_wait3A_345 = arith.constant 0 : i32
        %dma_wait3A_346 = tpu.memref_slice %arg8[%dma_wait3A_333, %dma_wait3A_344, %dma_wait3A_345] : memref<256x1250x128xf32, #tpu.memory_space<hbm>> -> memref<1x125x128xf32, #tpu.memory_space<hbm>>
        %dma_wait3A_347 = tpu.memref_squeeze %dma_wait3A_346 : memref<1x125x128xf32, #tpu.memory_space<hbm>> -> memref<125x128xf32, #tpu.memory_space<hbm>>
        %dma_wait3A_348 = arith.constant 0 : i32
        %dma_wait3A_349 = arith.constant 0 : i32
        %dma_wait3A_350 = tpu.memref_slice %arg17[%select_n3A_191, %dma_wait3A_348, %dma_wait3A_349] : memref<2x125x128xf32, #tpu.memory_space<vmem>> -> memref<1x125x128xf32, #tpu.memory_space<vmem>>
        %dma_wait3A_351 = tpu.memref_squeeze %dma_wait3A_350 : memref<1x125x128xf32, #tpu.memory_space<vmem>> -> memref<125x128xf32, #tpu.memory_space<vmem>>
        tpu.wait_dma2 semaphore(%dma_wait3A_343 : memref<!tpu.dma_semaphore, #tpu.memory_space<semaphore_mem>>) src(%dma_wait3A_351 : memref<125x128xf32, #tpu.memory_space<vmem>>) dst(%dma_wait3A_347 : memref<125x128xf32, #tpu.memory_space<hbm>>)
      } else {
      }
      %get3A_199 = arith.constant 0 : i32
      %get3A_200 = arith.index_cast %get3A_199 : i32 to index
      %get3A_201 = arith.constant 0 : index
      %get3A_202 = tpu.vector_load %arg10[%get3A_200, %get3A_201] {strides = array<i32>} : memref<3x128xf32, #tpu.memory_space<vmem>>, vector<16xf32>,
      %get3A_203 = arith.constant 0 : i32
      %get3A_204 = arith.index_cast %get3A_203 : i32 to index
      %get3A_205 = arith.constant 16 : index
      %get3A_206 = tpu.vector_load %arg10[%get3A_204, %get3A_205] {strides = array<i32>} : memref<3x128xf32, #tpu.memory_space<vmem>>, vector<16xf32>,
      %get3A_207 = arith.constant 0 : i32
      %get3A_208 = arith.index_cast %get3A_207 : i32 to index
      %get3A_209 = arith.constant 32 : index
      %get3A_210 = tpu.vector_load %arg10[%get3A_208, %get3A_209] {strides = array<i32>} : memref<3x128xf32, #tpu.memory_space<vmem>>, vector<16xf32>,
      %get3A_211 = arith.constant 0 : i32
      %get3A_212 = arith.index_cast %get3A_211 : i32 to index
      %get3A_213 = arith.constant 48 : index
      %get3A_214 = tpu.vector_load %arg10[%get3A_212, %get3A_213] {strides = array<i32>} : memref<3x128xf32, #tpu.memory_space<vmem>>, vector<16xf32>,
      %get3A_215 = arith.constant 0 : i32
      %get3A_216 = arith.index_cast %get3A_215 : i32 to index
      %get3A_217 = arith.constant 64 : index
      %get3A_218 = tpu.vector_load %arg10[%get3A_216, %get3A_217] {strides = array<i32>} : memref<3x128xf32, #tpu.memory_space<vmem>>, vector<16xf32>,
      %get3A_219 = arith.constant 0 : i32
      %get3A_220 = arith.index_cast %get3A_219 : i32 to index
      %get3A_221 = arith.constant 80 : index
      %get3A_222 = tpu.vector_load %arg10[%get3A_220, %get3A_221] {strides = array<i32>} : memref<3x128xf32, #tpu.memory_space<vmem>>, vector<16xf32>,
      %get3A_223 = arith.constant 0 : i32
      %get3A_224 = arith.index_cast %get3A_223 : i32 to index
      %get3A_225 = arith.constant 96 : index
      %get3A_226 = tpu.vector_load %arg10[%get3A_224, %get3A_225] {strides = array<i32>} : memref<3x128xf32, #tpu.memory_space<vmem>>, vector<16xf32>,
      %get3A_227 = arith.constant 0 : i32
      %get3A_228 = arith.index_cast %get3A_227 : i32 to index
      %get3A_229 = arith.constant 112 : index
      %get3A_230 = tpu.vector_load %arg10[%get3A_228, %get3A_229] {strides = array<i32>} : memref<3x128xf32, #tpu.memory_space<vmem>>, vector<16xf32>,
      %get3A_231 = arith.constant 1 : i32
      %get3A_232 = arith.index_cast %get3A_231 : i32 to index
      %get3A_233 = arith.constant 0 : index
      %get3A_234 = tpu.vector_load %arg10[%get3A_232, %get3A_233] {strides = array<i32>} : memref<3x128xf32, #tpu.memory_space<vmem>>, vector<16xf32>,
      %get3A_235 = arith.constant 1 : i32
      %get3A_236 = arith.index_cast %get3A_235 : i32 to index
      %get3A_237 = arith.constant 16 : index
      %get3A_238 = tpu.vector_load %arg10[%get3A_236, %get3A_237] {strides = array<i32>} : memref<3x128xf32, #tpu.memory_space<vmem>>, vector<16xf32>,
      %get3A_239 = arith.constant 1 : i32
      %get3A_240 = arith.index_cast %get3A_239 : i32 to index
      %get3A_241 = arith.constant 32 : index
      %get3A_242 = tpu.vector_load %arg10[%get3A_240, %get3A_241] {strides = array<i32>} : memref<3x128xf32, #tpu.memory_space<vmem>>, vector<16xf32>,
      %get3A_243 = arith.constant 1 : i32
      %get3A_244 = arith.index_cast %get3A_243 : i32 to index
      %get3A_245 = arith.constant 48 : index
      %get3A_246 = tpu.vector_load %arg10[%get3A_244, %get3A_245] {strides = array<i32>} : memref<3x128xf32, #tpu.memory_space<vmem>>, vector<16xf32>,
      %get3A_247 = arith.constant 1 : i32
      %get3A_248 = arith.index_cast %get3A_247 : i32 to index
      %get3A_249 = arith.constant 64 : index
      %get3A_250 = tpu.vector_load %arg10[%get3A_248, %get3A_249] {strides = array<i32>} : memref<3x128xf32, #tpu.memory_space<vmem>>, vector<16xf32>,
      %get3A_251 = arith.constant 1 : i32
      %get3A_252 = arith.index_cast %get3A_251 : i32 to index
      %get3A_253 = arith.constant 80 : index
      %get3A_254 = tpu.vector_load %arg10[%get3A_252, %get3A_253] {strides = array<i32>} : memref<3x128xf32, #tpu.memory_space<vmem>>, vector<16xf32>,
      %get3A_255 = arith.constant 1 : i32
      %get3A_256 = arith.index_cast %get3A_255 : i32 to index
      %get3A_257 = arith.constant 96 : index
      %get3A_258 = tpu.vector_load %arg10[%get3A_256, %get3A_257] {strides = array<i32>} : memref<3x128xf32, #tpu.memory_space<vmem>>, vector<16xf32>,
      %get3A_259 = arith.constant 1 : i32
      %get3A_260 = arith.index_cast %get3A_259 : i32 to index
      %get3A_261 = arith.constant 112 : index
      %get3A_262 = tpu.vector_load %arg10[%get3A_260, %get3A_261] {strides = array<i32>} : memref<3x128xf32, #tpu.memory_space<vmem>>, vector<16xf32>,
      %get3A_263 = arith.constant 2 : i32
      %get3A_264 = arith.index_cast %get3A_263 : i32 to index
      %get3A_265 = arith.constant 0 : index
      %get3A_266 = tpu.vector_load %arg10[%get3A_264, %get3A_265] {strides = array<i32>} : memref<3x128xf32, #tpu.memory_space<vmem>>, vector<16xf32>,
      %get3A_267 = arith.constant 2 : i32
      %get3A_268 = arith.index_cast %get3A_267 : i32 to index
      %get3A_269 = arith.constant 16 : index
      %get3A_270 = tpu.vector_load %arg10[%get3A_268, %get3A_269] {strides = array<i32>} : memref<3x128xf32, #tpu.memory_space<vmem>>, vector<16xf32>,
      %get3A_271 = arith.constant 2 : i32
      %get3A_272 = arith.index_cast %get3A_271 : i32 to index
      %get3A_273 = arith.constant 32 : index
      %get3A_274 = tpu.vector_load %arg10[%get3A_272, %get3A_273] {strides = array<i32>} : memref<3x128xf32, #tpu.memory_space<vmem>>, vector<16xf32>,
      %get3A_275 = arith.constant 2 : i32
      %get3A_276 = arith.index_cast %get3A_275 : i32 to index
      %get3A_277 = arith.constant 48 : index
      %get3A_278 = tpu.vector_load %arg10[%get3A_276, %get3A_277] {strides = array<i32>} : memref<3x128xf32, #tpu.memory_space<vmem>>, vector<16xf32>,
      %get3A_279 = arith.constant 2 : i32
      %get3A_280 = arith.index_cast %get3A_279 : i32 to index
      %get3A_281 = arith.constant 64 : index
      %get3A_282 = tpu.vector_load %arg10[%get3A_280, %get3A_281] {strides = array<i32>} : memref<3x128xf32, #tpu.memory_space<vmem>>, vector<16xf32>,
      %get3A_283 = arith.constant 2 : i32
      %get3A_284 = arith.index_cast %get3A_283 : i32 to index
      %get3A_285 = arith.constant 80 : index
      %get3A_286 = tpu.vector_load %arg10[%get3A_284, %get3A_285] {strides = array<i32>} : memref<3x128xf32, #tpu.memory_space<vmem>>, vector<16xf32>,
      %get3A_287 = arith.constant 2 : i32
      %get3A_288 = arith.index_cast %get3A_287 : i32 to index
      %get3A_289 = arith.constant 96 : index
      %get3A_290 = tpu.vector_load %arg10[%get3A_288, %get3A_289] {strides = array<i32>} : memref<3x128xf32, #tpu.memory_space<vmem>>, vector<16xf32>,
      %get3A_291 = arith.constant 2 : i32
      %get3A_292 = arith.index_cast %get3A_291 : i32 to index
      %get3A_293 = arith.constant 112 : index
      %get3A_294 = tpu.vector_load %arg10[%get3A_292, %get3A_293] {strides = array<i32>} : memref<3x128xf32, #tpu.memory_space<vmem>>, vector<16xf32>,
      %get3A_295 = arith.constant 0 : index
      %get3A_296 = tpu.vector_load %arg16[%get3A_295] {strides = array<i32>} : memref<128xf32, #tpu.memory_space<vmem>>, vector<16xf32>,
      %get3A_297 = arith.constant 16 : index
      %get3A_298 = tpu.vector_load %arg16[%get3A_297] {strides = array<i32>} : memref<128xf32, #tpu.memory_space<vmem>>, vector<16xf32>,
      %get3A_299 = arith.constant 32 : index
      %get3A_300 = tpu.vector_load %arg16[%get3A_299] {strides = array<i32>} : memref<128xf32, #tpu.memory_space<vmem>>, vector<16xf32>,
      %get3A_301 = arith.constant 48 : index
      %get3A_302 = tpu.vector_load %arg16[%get3A_301] {strides = array<i32>} : memref<128xf32, #tpu.memory_space<vmem>>, vector<16xf32>,
      %get3A_303 = arith.constant 64 : index
      %get3A_304 = tpu.vector_load %arg16[%get3A_303] {strides = array<i32>} : memref<128xf32, #tpu.memory_space<vmem>>, vector<16xf32>,
      %get3A_305 = arith.constant 80 : index
      %get3A_306 = tpu.vector_load %arg16[%get3A_305] {strides = array<i32>} : memref<128xf32, #tpu.memory_space<vmem>>, vector<16xf32>,
      %get3A_307 = arith.constant 96 : index
      %get3A_308 = tpu.vector_load %arg16[%get3A_307] {strides = array<i32>} : memref<128xf32, #tpu.memory_space<vmem>>, vector<16xf32>,
      %get3A_309 = arith.constant 112 : index
      %get3A_310 = tpu.vector_load %arg16[%get3A_309] {strides = array<i32>} : memref<128xf32, #tpu.memory_space<vmem>>, vector<16xf32>,
      %scan3A_311 = arith.constant 0 : i32
      %scan3A_312 = arith.constant 125 : i32
      %scan3A_313 = arith.addi %scan3A_311, %scan3A_312 : i32
      %scan3A_314 = arith.constant 1 : i32
      scf.for %scan3A_333 = %scan3A_311 to %scan3A_313 step %scan3A_314  : i32 {
        %mul3A_334 = arith.constant 5 : i32
        %mul3A_335 = arith.muli %select_n3A_172, %mul3A_334 : i32
        %jit3A_336 = arith.constant 25 : i32
        %div3A_337 = arith.divsi %scan3A_333, %jit3A_336 : i32
        %sign3A_338 = arith.constant 0 : i32
        %sign3A_339 = arith.cmpi sgt, %scan3A_333, %sign3A_338 : i32
        %sign3A_340 = arith.extui %sign3A_339 : i1 to i32
        %sign3A_341 = arith.constant 0 : i32
        %sign3A_342 = arith.cmpi slt, %scan3A_333, %sign3A_341 : i32
        %sign3A_343 = arith.extui %sign3A_342 : i1 to i32
        %sign3A_344 = arith.subi %sign3A_340, %sign3A_343 : i32
        %sign3A_345 = arith.constant 0 : i32
        %sign3A_346 = arith.cmpi sgt, %jit3A_336, %sign3A_345 : i32
        %sign3A_347 = arith.extui %sign3A_346 : i1 to i32
        %sign3A_348 = arith.constant 0 : i32
        %sign3A_349 = arith.cmpi slt, %jit3A_336, %sign3A_348 : i32
        %sign3A_350 = arith.extui %sign3A_349 : i1 to i32
        %sign3A_351 = arith.subi %sign3A_347, %sign3A_350 : i32
        %ne3A_352 = arith.cmpi ne, %sign3A_344, %sign3A_351 : i32
        %rem3A_353 = arith.remsi %scan3A_333, %jit3A_336 : i32
        %ne3A_354 = arith.constant 0 : i32
        %ne3A_355 = arith.cmpi ne, %rem3A_353, %ne3A_354 : i32
        %and3A_356 = arith.andi %ne3A_352, %ne3A_355 : i1
        %sub3A_357 = arith.constant 1 : i32
        %sub3A_358 = arith.subi %div3A_337, %sub3A_357 : i32
        %select_n3A_359 = arith.select %and3A_356, %sub3A_358, %div3A_337 : i32
        %add3A_360 = arith.addi %mul3A_335, %select_n3A_359 : i32
        %jit3A_361 = arith.constant 25 : i32
        %eq3A_362 = arith.constant 0 : i32
        %eq3A_363 = arith.cmpi eq, %jit3A_361, %eq3A_362 : i32
        %jit3A_364 = arith.constant 1 : i32
        %select_n3A_365 = arith.select %eq3A_363, %jit3A_364, %jit3A_361 : i32
        %rem3A_366 = arith.remsi %scan3A_333, %select_n3A_365 : i32
        %ne3A_367 = arith.constant 0 : i32
        %ne3A_368 = arith.cmpi ne, %rem3A_366, %ne3A_367 : i32
        %lt3A_369 = arith.constant 0 : i32
        %lt3A_370 = arith.cmpi slt, %rem3A_366, %lt3A_369 : i32
        %lt3A_371 = arith.constant 0 : i32
        %lt3A_372 = arith.cmpi slt, %select_n3A_365, %lt3A_371 : i32
        %ne3A_373 = arith.xori %lt3A_370, %lt3A_372 : i1
        %and3A_374 = arith.andi %ne3A_373, %ne3A_368 : i1
        %add3A_375 = arith.addi %rem3A_366, %select_n3A_365 : i32
        %select_n3A_376 = arith.select %and3A_374, %add3A_375, %rem3A_366 : i32
        %mul3A_377 = arith.constant 125 : i32
        %mul3A_378 = arith.muli %select_n3A_172, %mul3A_377 : i32
        %add3A_379 = arith.addi %mul3A_378, %scan3A_333 : i32
        %mul3A_380 = arith.constant 3 : i32
        %mul3A_381 = arith.muli %add3A_379, %mul3A_380 : i32
        %broadcast_in_dim3A_382 = vector.broadcast %mul3A_381 : i32 to vector<16xi32>
        %gather3A = tpu.vector_load_idx %arg9[%broadcast_in_dim3A_382] : memref<3750xf32, #tpu.memory_space<vmem>>[vector<16xi32>], vector<16xf32>,
        %add3A_383 = arith.constant 1 : i32
        %add3A_384 = vector.broadcast %add3A_383 : i32 to vector<16xi32>
        %add3A_385 = arith.addi %broadcast_in_dim3A_382, %add3A_384 : vector<16xi32>
        %gather3A_386 = tpu.vector_load_idx %arg9[%add3A_385] : memref<3750xf32, #tpu.memory_space<vmem>>[vector<16xi32>], vector<16xf32>,
        %add3A_387 = arith.constant 2 : i32
        %add3A_388 = vector.broadcast %add3A_387 : i32 to vector<16xi32>
        %add3A_389 = arith.addi %broadcast_in_dim3A_382, %add3A_388 : vector<16xi32>
        %gather3A_390 = tpu.vector_load_idx %arg9[%add3A_389] : memref<3750xf32, #tpu.memory_space<vmem>>[vector<16xi32>], vector<16xf32>,
        %ne3A_391 = arith.cmpf one, %gather3A, %gather3A : vector<16xf32>
        %ne3A_392 = arith.cmpf one, %gather3A_386, %gather3A_386 : vector<16xf32>
        %ne3A_393 = arith.cmpf one, %gather3A_390, %gather3A_390 : vector<16xf32>
        %select_n3A_394 = arith.select %ne3A_391, %broadcast_in_dim3A_91, %gather3A : vector<16xi1>, vector<16xf32>
        %select_n3A_395 = arith.select %ne3A_392, %broadcast_in_dim3A_91, %gather3A_386 : vector<16xi1>, vector<16xf32>
        %select_n3A_396 = arith.select %ne3A_393, %broadcast_in_dim3A_91, %gather3A_390 : vector<16xi1>, vector<16xf32>
        %or3A = arith.ori %ne3A_391, %ne3A_392 : vector<16xi1>
        %or3A_397 = arith.ori %or3A, %ne3A_393 : vector<16xi1>
        %select_n3A_398 = arith.select %or3A_397, %broadcast_in_dim3A_93, %broadcast_in_dim3A_91 : vector<16xi1>, vector<16xf32>
        %get3A_399 = arith.index_cast %add3A_360 : i32 to index
        %get3A_400 = arith.constant 0 : index
        %get3A_401 = tpu.vector_load %arg11[%get3A_399, %get3A_400] {strides = array<i32>} : memref<50x128xf32, #tpu.memory_space<vmem>>, vector<16xf32>,
        %get3A_402 = arith.index_cast %select_n3A_376 : i32 to index
        %get3A_403 = arith.constant 0 : index
        %get3A_404 = tpu.vector_load %arg13[%get3A_402, %get3A_403] {strides = array<i32>} : memref<25x128xf32, #tpu.memory_space<vmem>>, vector<16xf32>,
        %add3A_405 = arith.addf %get3A_401, %get3A_404 : vector<16xf32>
        %mul3A_406 = arith.mulf %select_n3A_394, %get3A_202 : vector<16xf32>
        %add3A_407 = arith.addf %add3A_405, %mul3A_406 : vector<16xf32>
        %mul3A_408 = arith.mulf %select_n3A_395, %get3A_234 : vector<16xf32>
        %add3A_409 = arith.addf %add3A_407, %mul3A_408 : vector<16xf32>
        %mul3A_410 = arith.mulf %select_n3A_396, %get3A_266 : vector<16xf32>
        %add3A_411 = arith.addf %add3A_409, %mul3A_410 : vector<16xf32>
        %mul3A_412 = arith.mulf %select_n3A_398, %get3A_296 : vector<16xf32>
        %add3A_413 = arith.addf %add3A_411, %mul3A_412 : vector<16xf32>
        %swap3A_414 = arith.index_cast %select_n3A_191 : i32 to index
        %swap3A_415 = arith.index_cast %scan3A_333 : i32 to index
        %swap3A_416 = arith.constant 0 : index
        %swap3A_417 = tpu.vector_load %arg17[%swap3A_414, %swap3A_415, %swap3A_416] {strides = array<i32>} : memref<2x125x128xf32, #tpu.memory_space<vmem>>, vector<16xf32>,
        tpu.vector_store %arg17[%swap3A_414, %swap3A_415, %swap3A_416], %add3A_413 {strides = array<i32>} : memref<2x125x128xf32, #tpu.memory_space<vmem>>, vector<16xf32>,
        %get3A_418 = arith.index_cast %add3A_360 : i32 to index
        %get3A_419 = arith.constant 16 : index
        %get3A_420 = tpu.vector_load %arg11[%get3A_418, %get3A_419] {strides = array<i32>} : memref<50x128xf32, #tpu.memory_space<vmem>>, vector<16xf32>,
        %get3A_421 = arith.index_cast %select_n3A_376 : i32 to index
        %get3A_422 = arith.constant 16 : index
        %get3A_423 = tpu.vector_load %arg13[%get3A_421, %get3A_422] {strides = array<i32>} : memref<25x128xf32, #tpu.memory_space<vmem>>, vector<16xf32>,
        %add3A_424 = arith.addf %get3A_420, %get3A_423 : vector<16xf32>
        %mul3A_425 = arith.mulf %select_n3A_394, %get3A_206 : vector<16xf32>
        %add3A_426 = arith.addf %add3A_424, %mul3A_425 : vector<16xf32>
        %mul3A_427 = arith.mulf %select_n3A_395, %get3A_238 : vector<16xf32>
        %add3A_428 = arith.addf %add3A_426, %mul3A_427 : vector<16xf32>
        %mul3A_429 = arith.mulf %select_n3A_396, %get3A_270 : vector<16xf32>
        %add3A_430 = arith.addf %add3A_428, %mul3A_429 : vector<16xf32>
        %mul3A_431 = arith.mulf %select_n3A_398, %get3A_298 : vector<16xf32>
        %add3A_432 = arith.addf %add3A_430, %mul3A_431 : vector<16xf32>
        %swap3A_433 = arith.index_cast %select_n3A_191 : i32 to index
        %swap3A_434 = arith.index_cast %scan3A_333 : i32 to index
        %swap3A_435 = arith.constant 16 : index
        %swap3A_436 = tpu.vector_load %arg17[%swap3A_433, %swap3A_434, %swap3A_435] {strides = array<i32>} : memref<2x125x128xf32, #tpu.memory_space<vmem>>, vector<16xf32>,
        tpu.vector_store %arg17[%swap3A_433, %swap3A_434, %swap3A_435], %add3A_432 {strides = array<i32>} : memref<2x125x128xf32, #tpu.memory_space<vmem>>, vector<16xf32>,
        %get3A_437 = arith.index_cast %add3A_360 : i32 to index
        %get3A_438 = arith.constant 32 : index
        %get3A_439 = tpu.vector_load %arg11[%get3A_437, %get3A_438] {strides = array<i32>} : memref<50x128xf32, #tpu.memory_space<vmem>>, vector<16xf32>,
        %get3A_440 = arith.index_cast %select_n3A_376 : i32 to index
        %get3A_441 = arith.constant 32 : index
        %get3A_442 = tpu.vector_load %arg13[%get3A_440, %get3A_441] {strides = array<i32>} : memref<25x128xf32, #tpu.memory_space<vmem>>, vector<16xf32>,
        %add3A_443 = arith.addf %get3A_439, %get3A_442 : vector<16xf32>
        %mul3A_444 = arith.mulf %select_n3A_394, %get3A_210 : vector<16xf32>
        %add3A_445 = arith.addf %add3A_443, %mul3A_444 : vector<16xf32>
        %mul3A_446 = arith.mulf %select_n3A_395, %get3A_242 : vector<16xf32>
        %add3A_447 = arith.addf %add3A_445, %mul3A_446 : vector<16xf32>
        %mul3A_448 = arith.mulf %select_n3A_396, %get3A_274 : vector<16xf32>
        %add3A_449 = arith.addf %add3A_447, %mul3A_448 : vector<16xf32>
        %mul3A_450 = arith.mulf %select_n3A_398, %get3A_300 : vector<16xf32>
        %add3A_451 = arith.addf %add3A_449, %mul3A_450 : vector<16xf32>
        %swap3A_452 = arith.index_cast %select_n3A_191 : i32 to index
        %swap3A_453 = arith.index_cast %scan3A_333 : i32 to index
        %swap3A_454 = arith.constant 32 : index
        %swap3A_455 = tpu.vector_load %arg17[%swap3A_452, %swap3A_453, %swap3A_454] {strides = array<i32>} : memref<2x125x128xf32, #tpu.memory_space<vmem>>, vector<16xf32>,
        tpu.vector_store %arg17[%swap3A_452, %swap3A_453, %swap3A_454], %add3A_451 {strides = array<i32>} : memref<2x125x128xf32, #tpu.memory_space<vmem>>, vector<16xf32>,
        %get3A_456 = arith.index_cast %add3A_360 : i32 to index
        %get3A_457 = arith.constant 48 : index
        %get3A_458 = tpu.vector_load %arg11[%get3A_456, %get3A_457] {strides = array<i32>} : memref<50x128xf32, #tpu.memory_space<vmem>>, vector<16xf32>,
        %get3A_459 = arith.index_cast %select_n3A_376 : i32 to index
        %get3A_460 = arith.constant 48 : index
        %get3A_461 = tpu.vector_load %arg13[%get3A_459, %get3A_460] {strides = array<i32>} : memref<25x128xf32, #tpu.memory_space<vmem>>, vector<16xf32>,
        %add3A_462 = arith.addf %get3A_458, %get3A_461 : vector<16xf32>
        %mul3A_463 = arith.mulf %select_n3A_394, %get3A_214 : vector<16xf32>
        %add3A_464 = arith.addf %add3A_462, %mul3A_463 : vector<16xf32>
        %mul3A_465 = arith.mulf %select_n3A_395, %get3A_246 : vector<16xf32>
        %add3A_466 = arith.addf %add3A_464, %mul3A_465 : vector<16xf32>
        %mul3A_467 = arith.mulf %select_n3A_396, %get3A_278 : vector<16xf32>
        %add3A_468 = arith.addf %add3A_466, %mul3A_467 : vector<16xf32>
        %mul3A_469 = arith.mulf %select_n3A_398, %get3A_302 : vector<16xf32>
        %add3A_470 = arith.addf %add3A_468, %mul3A_469 : vector<16xf32>
        %swap3A_471 = arith.index_cast %select_n3A_191 : i32 to index
        %swap3A_472 = arith.index_cast %scan3A_333 : i32 to index
        %swap3A_473 = arith.constant 48 : index
        %swap3A_474 = tpu.vector_load %arg17[%swap3A_471, %swap3A_472, %swap3A_473] {strides = array<i32>} : memref<2x125x128xf32, #tpu.memory_space<vmem>>, vector<16xf32>,
        tpu.vector_store %arg17[%swap3A_471, %swap3A_472, %swap3A_473], %add3A_470 {strides = array<i32>} : memref<2x125x128xf32, #tpu.memory_space<vmem>>, vector<16xf32>,
        %get3A_475 = arith.index_cast %add3A_360 : i32 to index
        %get3A_476 = arith.constant 64 : index
        %get3A_477 = tpu.vector_load %arg11[%get3A_475, %get3A_476] {strides = array<i32>} : memref<50x128xf32, #tpu.memory_space<vmem>>, vector<16xf32>,
        %get3A_478 = arith.index_cast %select_n3A_376 : i32 to index
        %get3A_479 = arith.constant 64 : index
        %get3A_480 = tpu.vector_load %arg13[%get3A_478, %get3A_479] {strides = array<i32>} : memref<25x128xf32, #tpu.memory_space<vmem>>, vector<16xf32>,
        %add3A_481 = arith.addf %get3A_477, %get3A_480 : vector<16xf32>
        %mul3A_482 = arith.mulf %select_n3A_394, %get3A_218 : vector<16xf32>
        %add3A_483 = arith.addf %add3A_481, %mul3A_482 : vector<16xf32>
        %mul3A_484 = arith.mulf %select_n3A_395, %get3A_250 : vector<16xf32>
        %add3A_485 = arith.addf %add3A_483, %mul3A_484 : vector<16xf32>
        %mul3A_486 = arith.mulf %select_n3A_396, %get3A_282 : vector<16xf32>
        %add3A_487 = arith.addf %add3A_485, %mul3A_486 : vector<16xf32>
        %mul3A_488 = arith.mulf %select_n3A_398, %get3A_304 : vector<16xf32>
        %add3A_489 = arith.addf %add3A_487, %mul3A_488 : vector<16xf32>
        %swap3A_490 = arith.index_cast %select_n3A_191 : i32 to index
        %swap3A_491 = arith.index_cast %scan3A_333 : i32 to index
        %swap3A_492 = arith.constant 64 : index
        %swap3A_493 = tpu.vector_load %arg17[%swap3A_490, %swap3A_491, %swap3A_492] {strides = array<i32>} : memref<2x125x128xf32, #tpu.memory_space<vmem>>, vector<16xf32>,
        tpu.vector_store %arg17[%swap3A_490, %swap3A_491, %swap3A_492], %add3A_489 {strides = array<i32>} : memref<2x125x128xf32, #tpu.memory_space<vmem>>, vector<16xf32>,
        %get3A_494 = arith.index_cast %add3A_360 : i32 to index
        %get3A_495 = arith.constant 80 : index
        %get3A_496 = tpu.vector_load %arg11[%get3A_494, %get3A_495] {strides = array<i32>} : memref<50x128xf32, #tpu.memory_space<vmem>>, vector<16xf32>,
        %get3A_497 = arith.index_cast %select_n3A_376 : i32 to index
        %get3A_498 = arith.constant 80 : index
        %get3A_499 = tpu.vector_load %arg13[%get3A_497, %get3A_498] {strides = array<i32>} : memref<25x128xf32, #tpu.memory_space<vmem>>, vector<16xf32>,
        %add3A_500 = arith.addf %get3A_496, %get3A_499 : vector<16xf32>
        %mul3A_501 = arith.mulf %select_n3A_394, %get3A_222 : vector<16xf32>
        %add3A_502 = arith.addf %add3A_500, %mul3A_501 : vector<16xf32>
        %mul3A_503 = arith.mulf %select_n3A_395, %get3A_254 : vector<16xf32>
        %add3A_504 = arith.addf %add3A_502, %mul3A_503 : vector<16xf32>
        %mul3A_505 = arith.mulf %select_n3A_396, %get3A_286 : vector<16xf32>
        %add3A_506 = arith.addf %add3A_504, %mul3A_505 : vector<16xf32>
        %mul3A_507 = arith.mulf %select_n3A_398, %get3A_306 : vector<16xf32>
        %add3A_508 = arith.addf %add3A_506, %mul3A_507 : vector<16xf32>
        %swap3A_509 = arith.index_cast %select_n3A_191 : i32 to index
        %swap3A_510 = arith.index_cast %scan3A_333 : i32 to index
        %swap3A_511 = arith.constant 80 : index
        %swap3A_512 = tpu.vector_load %arg17[%swap3A_509, %swap3A_510, %swap3A_511] {strides = array<i32>} : memref<2x125x128xf32, #tpu.memory_space<vmem>>, vector<16xf32>,
        tpu.vector_store %arg17[%swap3A_509, %swap3A_510, %swap3A_511], %add3A_508 {strides = array<i32>} : memref<2x125x128xf32, #tpu.memory_space<vmem>>, vector<16xf32>,
        %get3A_513 = arith.index_cast %add3A_360 : i32 to index
        %get3A_514 = arith.constant 96 : index
        %get3A_515 = tpu.vector_load %arg11[%get3A_513, %get3A_514] {strides = array<i32>} : memref<50x128xf32, #tpu.memory_space<vmem>>, vector<16xf32>,
        %get3A_516 = arith.index_cast %select_n3A_376 : i32 to index
        %get3A_517 = arith.constant 96 : index
        %get3A_518 = tpu.vector_load %arg13[%get3A_516, %get3A_517] {strides = array<i32>} : memref<25x128xf32, #tpu.memory_space<vmem>>, vector<16xf32>,
        %add3A_519 = arith.addf %get3A_515, %get3A_518 : vector<16xf32>
        %mul3A_520 = arith.mulf %select_n3A_394, %get3A_226 : vector<16xf32>
        %add3A_521 = arith.addf %add3A_519, %mul3A_520 : vector<16xf32>
        %mul3A_522 = arith.mulf %select_n3A_395, %get3A_258 : vector<16xf32>
        %add3A_523 = arith.addf %add3A_521, %mul3A_522 : vector<16xf32>
        %mul3A_524 = arith.mulf %select_n3A_396, %get3A_290 : vector<16xf32>
        %add3A_525 = arith.addf %add3A_523, %mul3A_524 : vector<16xf32>
        %mul3A_526 = arith.mulf %select_n3A_398, %get3A_308 : vector<16xf32>
        %add3A_527 = arith.addf %add3A_525, %mul3A_526 : vector<16xf32>
        %swap3A_528 = arith.index_cast %select_n3A_191 : i32 to index
        %swap3A_529 = arith.index_cast %scan3A_333 : i32 to index
        %swap3A_530 = arith.constant 96 : index
        %swap3A_531 = tpu.vector_load %arg17[%swap3A_528, %swap3A_529, %swap3A_530] {strides = array<i32>} : memref<2x125x128xf32, #tpu.memory_space<vmem>>, vector<16xf32>,
        tpu.vector_store %arg17[%swap3A_528, %swap3A_529, %swap3A_530], %add3A_527 {strides = array<i32>} : memref<2x125x128xf32, #tpu.memory_space<vmem>>, vector<16xf32>,
        %get3A_532 = arith.index_cast %add3A_360 : i32 to index
        %get3A_533 = arith.constant 112 : index
        %get3A_534 = tpu.vector_load %arg11[%get3A_532, %get3A_533] {strides = array<i32>} : memref<50x128xf32, #tpu.memory_space<vmem>>, vector<16xf32>,
        %get3A_535 = arith.index_cast %select_n3A_376 : i32 to index
        %get3A_536 = arith.constant 112 : index
        %get3A_537 = tpu.vector_load %arg13[%get3A_535, %get3A_536] {strides = array<i32>} : memref<25x128xf32, #tpu.memory_space<vmem>>, vector<16xf32>,
        %add3A_538 = arith.addf %get3A_534, %get3A_537 : vector<16xf32>
        %mul3A_539 = arith.mulf %select_n3A_394, %get3A_230 : vector<16xf32>
        %add3A_540 = arith.addf %add3A_538, %mul3A_539 : vector<16xf32>
        %mul3A_541 = arith.mulf %select_n3A_395, %get3A_262 : vector<16xf32>
        %add3A_542 = arith.addf %add3A_540, %mul3A_541 : vector<16xf32>
        %mul3A_543 = arith.mulf %select_n3A_396, %get3A_294 : vector<16xf32>
        %add3A_544 = arith.addf %add3A_542, %mul3A_543 : vector<16xf32>
        %mul3A_545 = arith.mulf %select_n3A_398, %get3A_310 : vector<16xf32>
        %add3A_546 = arith.addf %add3A_544, %mul3A_545 : vector<16xf32>
        %swap3A_547 = arith.index_cast %select_n3A_191 : i32 to index
        %swap3A_548 = arith.index_cast %scan3A_333 : i32 to index
        %swap3A_549 = arith.constant 112 : index
        %swap3A_550 = tpu.vector_load %arg17[%swap3A_547, %swap3A_548, %swap3A_549] {strides = array<i32>} : memref<2x125x128xf32, #tpu.memory_space<vmem>>, vector<16xf32>,
        tpu.vector_store %arg17[%swap3A_547, %swap3A_548, %swap3A_549], %add3A_546 {strides = array<i32>} : memref<2x125x128xf32, #tpu.memory_space<vmem>>, vector<16xf32>,
      }
      %scan3A_315 = arith.constant 125 : i32
      %mul3A_316 = arith.constant 125 : i32
      %mul3A_317 = arith.muli %select_n3A_172, %mul3A_316 : i32
      %dma_start3A = arith.constant 0 : i32
      %dma_start3A_318 = arith.constant 0 : i32
      %dma_start3A_319 = tpu.memref_slice %arg17[%select_n3A_191, %dma_start3A, %dma_start3A_318] : memref<2x125x128xf32, #tpu.memory_space<vmem>> -> memref<1x125x128xf32, #tpu.memory_space<vmem>>
      %dma_start3A_320 = tpu.memref_squeeze %dma_start3A_319 : memref<1x125x128xf32, #tpu.memory_space<vmem>> -> memref<125x128xf32, #tpu.memory_space<vmem>>
      %dma_start3A_321 = arith.constant 0 : i32
      %dma_start3A_322 = tpu.memref_slice %arg8[%add3A_175, %mul3A_317, %dma_start3A_321] : memref<256x1250x128xf32, #tpu.memory_space<hbm>> -> memref<1x125x128xf32, #tpu.memory_space<hbm>>
      %dma_start3A_323 = tpu.memref_squeeze %dma_start3A_322 : memref<1x125x128xf32, #tpu.memory_space<hbm>> -> memref<125x128xf32, #tpu.memory_space<hbm>>
      %dma_start3A_324 = tpu.memref_slice %arg18[%select_n3A_191] : memref<2x!tpu.dma_semaphore, #tpu.memory_space<semaphore_mem>> -> memref<1x!tpu.dma_semaphore, #tpu.memory_space<semaphore_mem>>
      %dma_start3A_325 = tpu.memref_squeeze %dma_start3A_324 : memref<1x!tpu.dma_semaphore, #tpu.memory_space<semaphore_mem>> -> memref<!tpu.dma_semaphore, #tpu.memory_space<semaphore_mem>>
      %dma_start3A_326 = arith.constant 0 : i32
      %dma_start3A_327 = tpu.memref_slice %arg8[%add3A_175, %mul3A_317, %dma_start3A_326] : memref<256x1250x128xf32, #tpu.memory_space<hbm>> -> memref<1x125x128xf32, #tpu.memory_space<hbm>>
      %dma_start3A_328 = tpu.memref_squeeze %dma_start3A_327 : memref<1x125x128xf32, #tpu.memory_space<hbm>> -> memref<125x128xf32, #tpu.memory_space<hbm>>
      %dma_start3A_329 = arith.constant 0 : i32
      %dma_start3A_330 = arith.constant 0 : i32
      %dma_start3A_331 = tpu.memref_slice %arg17[%select_n3A_191, %dma_start3A_329, %dma_start3A_330] : memref<2x125x128xf32, #tpu.memory_space<vmem>> -> memref<1x125x128xf32, #tpu.memory_space<vmem>>
      %dma_start3A_332 = tpu.memref_squeeze %dma_start3A_331 : memref<1x125x128xf32, #tpu.memory_space<vmem>> -> memref<125x128xf32, #tpu.memory_space<vmem>>
      tpu.enqueue_dma source(%dma_start3A_332 : memref<125x128xf32, #tpu.memory_space<vmem>>) target(%dma_start3A_328 : memref<125x128xf32, #tpu.memory_space<hbm>>) target_semaphore(%dma_start3A_325 : memref<!tpu.dma_semaphore, #tpu.memory_space<semaphore_mem>>)
    }
    %scan3A_99 = arith.constant 80 : i32
    %dma_wait3A = arith.constant 0 : i32
    %dma_wait3A_100 = arith.constant 0 : i32
    %dma_wait3A_101 = arith.constant 0 : i32
    %dma_wait3A_102 = arith.constant 0 : i32
    %dma_wait3A_103 = arith.constant 0 : i32
    %dma_wait3A_104 = tpu.memref_slice %arg17[%dma_wait3A, %dma_wait3A_102, %dma_wait3A_103] : memref<2x125x128xf32, #tpu.memory_space<vmem>> -> memref<1x125x128xf32, #tpu.memory_space<vmem>>
    %dma_wait3A_105 = tpu.memref_squeeze %dma_wait3A_104 : memref<1x125x128xf32, #tpu.memory_space<vmem>> -> memref<125x128xf32, #tpu.memory_space<vmem>>
    %dma_wait3A_106 = arith.constant 0 : i32
    %dma_wait3A_107 = arith.constant 0 : i32
    %dma_wait3A_108 = tpu.memref_slice %arg8[%dma_wait3A_100, %dma_wait3A_106, %dma_wait3A_107] : memref<256x1250x128xf32, #tpu.memory_space<hbm>> -> memref<1x125x128xf32, #tpu.memory_space<hbm>>
    %dma_wait3A_109 = tpu.memref_squeeze %dma_wait3A_108 : memref<1x125x128xf32, #tpu.memory_space<hbm>> -> memref<125x128xf32, #tpu.memory_space<hbm>>
    %dma_wait3A_110 = tpu.memref_slice %arg18[%dma_wait3A_101] : memref<2x!tpu.dma_semaphore, #tpu.memory_space<semaphore_mem>> -> memref<1x!tpu.dma_semaphore, #tpu.memory_space<semaphore_mem>>
    %dma_wait3A_111 = tpu.memref_squeeze %dma_wait3A_110 : memref<1x!tpu.dma_semaphore, #tpu.memory_space<semaphore_mem>> -> memref<!tpu.dma_semaphore, #tpu.memory_space<semaphore_mem>>
    %dma_wait3A_112 = arith.constant 0 : i32
    %dma_wait3A_113 = arith.constant 0 : i32
    %dma_wait3A_114 = tpu.memref_slice %arg8[%dma_wait3A_100, %dma_wait3A_112, %dma_wait3A_113] : memref<256x1250x128xf32, #tpu.memory_space<hbm>> -> memref<1x125x128xf32, #tpu.memory_space<hbm>>
    %dma_wait3A_115 = tpu.memref_squeeze %dma_wait3A_114 : memref<1x125x128xf32, #tpu.memory_space<hbm>> -> memref<125x128xf32, #tpu.memory_space<hbm>>
    %dma_wait3A_116 = arith.constant 0 : i32
    %dma_wait3A_117 = arith.constant 0 : i32
    %dma_wait3A_118 = tpu.memref_slice %arg17[%dma_wait3A, %dma_wait3A_116, %dma_wait3A_117] : memref<2x125x128xf32, #tpu.memory_space<vmem>> -> memref<1x125x128xf32, #tpu.memory_space<vmem>>
    %dma_wait3A_119 = tpu.memref_squeeze %dma_wait3A_118 : memref<1x125x128xf32, #tpu.memory_space<vmem>> -> memref<125x128xf32, #tpu.memory_space<vmem>>
    tpu.wait_dma2 semaphore(%dma_wait3A_111 : memref<!tpu.dma_semaphore, #tpu.memory_space<semaphore_mem>>) src(%dma_wait3A_119 : memref<125x128xf32, #tpu.memory_space<vmem>>) dst(%dma_wait3A_115 : memref<125x128xf32, #tpu.memory_space<hbm>>)
    %dma_wait3A_120 = arith.constant 1 : i32
    %dma_wait3A_121 = arith.constant 0 : i32
    %dma_wait3A_122 = arith.constant 1 : i32
    %dma_wait3A_123 = arith.constant 0 : i32
    %dma_wait3A_124 = arith.constant 0 : i32
    %dma_wait3A_125 = tpu.memref_slice %arg17[%dma_wait3A_120, %dma_wait3A_123, %dma_wait3A_124] : memref<2x125x128xf32, #tpu.memory_space<vmem>> -> memref<1x125x128xf32, #tpu.memory_space<vmem>>
    %dma_wait3A_126 = tpu.memref_squeeze %dma_wait3A_125 : memref<1x125x128xf32, #tpu.memory_space<vmem>> -> memref<125x128xf32, #tpu.memory_space<vmem>>
    %dma_wait3A_127 = arith.constant 0 : i32
    %dma_wait3A_128 = arith.constant 0 : i32
    %dma_wait3A_129 = tpu.memref_slice %arg8[%dma_wait3A_121, %dma_wait3A_127, %dma_wait3A_128] : memref<256x1250x128xf32, #tpu.memory_space<hbm>> -> memref<1x125x128xf32, #tpu.memory_space<hbm>>
    %dma_wait3A_130 = tpu.memref_squeeze %dma_wait3A_129 : memref<1x125x128xf32, #tpu.memory_space<hbm>> -> memref<125x128xf32, #tpu.memory_space<hbm>>
    %dma_wait3A_131 = tpu.memref_slice %arg18[%dma_wait3A_122] : memref<2x!tpu.dma_semaphore, #tpu.memory_space<semaphore_mem>> -> memref<1x!tpu.dma_semaphore, #tpu.memory_space<semaphore_mem>>
    %dma_wait3A_132 = tpu.memref_squeeze %dma_wait3A_131 : memref<1x!tpu.dma_semaphore, #tpu.memory_space<semaphore_mem>> -> memref<!tpu.dma_semaphore, #tpu.memory_space<semaphore_mem>>
    %dma_wait3A_133 = arith.constant 0 : i32
    %dma_wait3A_134 = arith.constant 0 : i32
    %dma_wait3A_135 = tpu.memref_slice %arg8[%dma_wait3A_121, %dma_wait3A_133, %dma_wait3A_134] : memref<256x1250x128xf32, #tpu.memory_space<hbm>> -> memref<1x125x128xf32, #tpu.memory_space<hbm>>
    %dma_wait3A_136 = tpu.memref_squeeze %dma_wait3A_135 : memref<1x125x128xf32, #tpu.memory_space<hbm>> -> memref<125x128xf32, #tpu.memory_space<hbm>>
    %dma_wait3A_137 = arith.constant 0 : i32
    %dma_wait3A_138 = arith.constant 0 : i32
    %dma_wait3A_139 = tpu.memref_slice %arg17[%dma_wait3A_120, %dma_wait3A_137, %dma_wait3A_138] : memref<2x125x128xf32, #tpu.memory_space<vmem>> -> memref<1x125x128xf32, #tpu.memory_space<vmem>>
    %dma_wait3A_140 = tpu.memref_squeeze %dma_wait3A_139 : memref<1x125x128xf32, #tpu.memory_space<vmem>> -> memref<125x128xf32, #tpu.memory_space<vmem>>
    tpu.wait_dma2 semaphore(%dma_wait3A_132 : memref<!tpu.dma_semaphore, #tpu.memory_space<semaphore_mem>>) src(%dma_wait3A_140 : memref<125x128xf32, #tpu.memory_space<vmem>>) dst(%dma_wait3A_136 : memref<125x128xf32, #tpu.memory_space<hbm>>)
    return
  }
}

</mosaic_0001>

<sc_bundles>
// kernel: kernel.3.cloned.1.call-start
scs
__scs_entry_jumppad:
0x0: {  	(pc) =	sbr.rel $0x88, $3  }
0x1: {  	(tag) =	ssettag $0x0;
	lr =	simm.s32 $0x1  }
0x2: {  	[smem:$0x3F9B] =	sst lr;
	_ =	strace $0xD0000000  }
0x3: {  	_ = 	snop  }
0x4: {  	_ = 	snop  }
0x5: {  	_ = 	snop  }
0x6: {  	_ = 	snop  }
0x7: {  	_ = 	snop  }
__scs_overlays_trampoline_lowered:
0x8: {  	[smem:$0x3FAA] =	sst s0  }
0x9: {  	[smem:$0x3FAB] =	sst s1  }
0xa: {  	[smem:$0x3FAC] =	sst s2  }
0xb: {  	[smem:$0x3FAD] =	sst s3  }
0xc: {  	[smem:$0x3FAE] =	sst s4  }
0xd: {  	[smem:$0x3FAF] =	sst s5  }
0xe: {  	[smem:$0x3FB0] =	sst s6  }
0xf: {  	[smem:$0x3FB1] =	sst s7  }
0x10: {  	[smem:$0x3FB2] =	sst s8  }
0x11: {  	[smem:$0x3FB3] =	sst s9;
	s0 =	simm.s32 @!p0 $0x0  }
0x12: {  	s1 =	sld [smem:$0x3F99];
	s0 =	simm.s32 @p0 $0x1  }
0x13: {  	[smem:$0x3FB4] =	sst s0;
	s0 =	simm.s32 @!p1 $0x0  }
0x14: {  	s2 =	sld [smem:$0x3F98];
	s0 =	simm.s32 @p1 $0x1  }
0x15: {  	[smem:$0x3FB5] =	sst s0;
	s0 =	simm.s32 @!p2 $0x0  }
0x16: {  	s3 =	sld [smem:$0x3FDB];
	s0 =	simm.s32 @p2 $0x1  }
0x17: {  	s4 =	simm.s32 $0x1BF5;
	[smem:$0x3FB7] =	sst s0  }
0x18: {  	s0 =	sld [smem:$0x3F9A];
	_ =	swait.ge [sflag:s4], $0x0  }
0x19: {  	s7 =	sld [smem:$0x3F9B]  }
0x1a: {  	s8 =	sadd.s32 $0xFFFFE003, lr  }
0x1b: {  	s9 =	sadd.s32 $0xFFFFFEF7, lr;
	s5 =	simm.s32 $0xFFFFFFFF;
	p2 =	slt.u32 s8, $0xFFFFF086  }
0x1c: {  	p1 =	slt.u32 s9, $0xF7A;
	s5 =	simm.s32 @!p2 $0x0  }
0x1d: {  	s5 =	simm.s32 @p1 $0x1;
	p0 =	seq.s32 s7, s2  }
0x1e: {  	s7 =	smul.u32 @!p0 $0xF7A, s2;
	p2 =	seq.s32 @!p0 s5, $0x0  }
0x1f: {  	s9 =	smul.u32 $0xF7A, s1;
	s8 =	simm.s32 @!p0 $0x1BF5;
	p2 =	por !p2, p0  }
0x20: {  	[sflag:s8] =	ssyncset.s32 @!p0 $0xFFFFF086;
	s6 =	sadd.s32 @!p0 s3, s7;
	s7 =	simm.s32 @!p0 $0x108  }
0x21: {  	s3 =	sadd.s32 s3, s9;
	s6 =	sadd.s32 @!p0 $0x88, s6;
	s7 =	simm.s32 @p2 $0x1082  }
0x22: {  	[simem:s7], [sflag:s8] =	dma.local @!p0 [hbm:s6], $0xF7A  }
0x23: {  	s9 =	sor.u32 $0xD0000000, s2;
	s6 =	simm.s32 $0x108;
	_ =	swait.ge @!p0 [sflag:s8], $0x0  }
0x24: {  	s3 =	sadd.s32 $0x88, s3;
	s6 =	simm.s32 @!p1 $0x1082;
	[sflag:s4] =	ssyncset.s32 $0xFFFFF086  }
0x25: {  	[simem:s6], [sflag:s4] =	dma.local [hbm:s3], $0xF7A  }
0x26: {  	[smem:$0x3F9B] =	sst s1;
	(tag) =	ssettag s2;
	_ =	strace s9  }
0x27: {  	s1 =	sld [smem:$0x3FAB]  }
0x28: {  	s2 =	sld [smem:$0x3FAC]  }
0x29: {  	s4 =	sld [smem:$0x3FAE]  }
0x2a: {  	p0 =	seq.s32 s5, $0x0;
	s5 =	sld [smem:$0x3FAF]  }
0x2b: {  	s6 =	sld [smem:$0x3FB0]  }
0x2c: {  	s7 =	sld [smem:$0x3FB1]  }
0x2d: {  	s3 =	simm.s32 $0x108;
	s8 =	sld [smem:$0x3FB2]  }
0x2e: {  	s3 =	simm.s32 @!p0 $0x1082;
	s9 =	sld [smem:$0x3FB3]  }
0x2f: {  	lr =	sadd.s32 s0, s3;
	s0 =	sld [smem:$0x3FAA]  }
0x30: {  	s3 =	sld [smem:$0x3FAD]  }
0x31: {  	[smem:$0x3FB6] =	sst s10  }
0x32: {  	s10 =	sld [smem:$0x3FB4];
	_ =	sdelay $0x3  }
0x33: {  	p0 =	seq.s32 s10, $0x1;
	s10 =	sld [smem:$0x3FB6];
	_ =	sdelay $0x3  }
0x34: {  	[smem:$0x3FB6] =	sst s10  }
0x35: {  	s10 =	sld [smem:$0x3FB5];
	_ =	sdelay $0x3  }
0x36: {  	p1 =	seq.s32 s10, $0x1;
	s10 =	sld [smem:$0x3FB6];
	_ =	sdelay $0x3  }
0x37: {  	[smem:$0x3FB6] =	sst s10  }
0x38: {  	s10 =	sld [smem:$0x3FB7]  }
0x39: {  	_ = 	snop;
	(pc) =	sbr.ind lr, $3  }
0x3a: {  	_ = 	snop  }
0x3b: {  	_ = 	snop  }
0x3c: {  	p2 =	seq.s32 s10, $0x1;
	s10 =	sld [smem:$0x3FB6]  }
0x3d: {  	_ =	shalt  }
0x3e: {  	_ =	shalt  }
0x3f: {  	_ =	shalt  }
0x40: {  	_ =	shalt  }
0x41: {  	_ =	shalt  }
0x42: {  	_ =	shalt  }
0x43: {  	_ =	shalt  }
0x44: {  	_ =	shalt  }
0x45: {  	_ =	shalt  }
0x46: {  	_ =	shalt  }
0x47: {  	_ =	shalt  }
0x48: {  	_ =	shalt  }
0x49: {  	_ =	shalt  }
0x4a: {  	_ =	shalt  }
0x4b: {  	_ =	shalt  }
0x4c: {  	_ =	shalt  }
0x4d: {  	_ =	shalt  }
0x4e: {  	_ =	shalt  }
0x4f: {  	_ =	shalt  }
0x50: {  	_ =	shalt  }
0x51: {  	_ =	shalt  }
0x52: {  	_ =	shalt  }
0x53: {  	_ =	shalt  }
0x54: {  	_ =	shalt  }
0x55: {  	_ =	shalt  }
0x56: {  	_ =	shalt  }
0x57: {  	_ =	shalt  }
0x58: {  	_ =	shalt  }
0x59: {  	_ =	shalt  }
0x5a: {  	_ =	shalt  }
0x5b: {  	_ =	shalt  }
0x5c: {  	_ =	shalt  }
0x5d: {  	_ =	shalt  }
0x5e: {  	_ =	shalt  }
0x5f: {  	_ =	shalt  }
0x60: {  	_ =	shalt  }
0x61: {  	_ =	shalt  }
0x62: {  	_ =	shalt  }
0x63: {  	_ =	shalt  }
0x64: {  	_ =	shalt  }
0x65: {  	_ =	shalt  }
0x66: {  	_ =	shalt  }
0x67: {  	_ =	shalt  }
0x68: {  	_ =	shalt  }
0x69: {  	_ =	shalt  }
0x6a: {  	_ =	shalt  }
0x6b: {  	_ =	shalt  }
0x6c: {  	_ =	shalt  }
0x6d: {  	_ =	shalt  }
0x6e: {  	_ =	shalt  }
0x6f: {  	_ =	shalt  }
0x70: {  	_ =	shalt  }
0x71: {  	_ =	shalt  }
0x72: {  	_ =	shalt  }
0x73: {  	_ =	shalt  }
0x74: {  	_ =	shalt  }
0x75: {  	_ =	shalt  }
0x76: {  	_ =	shalt  }
0x77: {  	_ =	shalt  }
0x78: {  	_ =	shalt  }
0x79: {  	_ =	shalt  }
0x7a: {  	_ =	shalt  }
0x7b: {  	_ =	shalt  }
0x7c: {  	_ =	shalt  }
0x7d: {  	_ =	shalt  }
0x7e: {  	_ =	shalt  }
0x7f: {  	_ =	shalt  }
0x80: {  	_ =	shalt  }
0x81: {  	_ =	shalt  }
0x82: {  	_ =	shalt  }
0x83: {  	_ =	shalt  }
0x84: {  	_ =	shalt  }
0x85: {  	_ =	shalt  }
0x86: {  	_ =	shalt  }
0x87: {  	_ =	shalt  }
.Lfunc_end0:
.L_simem_size_0:
called_computation.1_lowered:
.L_overlay_start_0:
0x88: {  	s2 =	sld [smem:$0x3FD9]  }
0x89: {  	s3 =	sld [smem:$0x3FFE];
	_ =	sdelay $0x1  }
0x8a: {  	s1 =	srdreg.scid  }
0x8b: {  	s0 =	sand.u32 $0x1, s1  }
0x8c: {  	s17 =	sshll.u32 s0, $0xA;
	s2 =	sadd.s32 s3, s2  }
0x8d: {  	s2 =	sadd.s32 s2, s17  }
0x8e: {  	[smem:$0x3FC2] =	sst s2  }
0x8f: {  	_ = 	snop  }
0x90: {  	s2 =	sld [smem:$0x3FC8]  }
0x91: {  	s18 =	sld [smem:$0x3FC7]  }
0x92: {  	s4 =	sld [smem:$0x3FC6]  }
0x93: {  	s5 =	sld [smem:$0x3FC5]  }
0x94: {  	s6 =	sld [smem:$0x3FC4]  }
0x95: {  	s7 =	sld [smem:$0x3FD0];
	(tm) =	ssettm $0x1  }
0x96: {  	s8 =	sld [smem:$0x3FFB];
	_ =	sdelay $0x3  }
0x97: {  	_ =	strace s8  }
0x98: {  	s8 =	sld [smem:$0x3FFC];
	_ =	sdelay $0x3  }
0x99: {  	_ =	strace s8  }
0x9a: {  	s8 =	sld [smem:$0x3FFD];
	_ =	sdelay $0x3  }
0x9b: {  	_ =	strace s8  }
0x9c: {  	_ =	strace $0x8FFFFFFF  }
0x9d: {  	s19 =	sld [smem:$0x3FDB];
	_ =	sdelay $0x1  }
0x9e: {  	s9 =	simm.s32 $_scs_section_size  }
0x9f: {  	s10 =	simm.s32 $_size__tile_overlayer_lowered;
	s11 =	simm.s32 $_tile_overlayer_lowered  }
0xa0: {  	s22 =	simm.s32 $0x1BFF;
	s21 =	sshll.u32 s11, $0x1;
	s8 =	sadd.s32 s9, s19  }
0xa1: {  	s12 =	simm.s32 $0x0;
	s20 =	sshll.u32 s10, $0x1;
	s10 =	sadd.s32 s21, s8  }
0xa2: {  	[timem:s12], [sflag:s22] =	dma.local [hbm:s10], s20  }
0xa3: {  	_ =	swait.ge [sflag:s22], s20  }
0xa4: {  	s9 =	ssub.s32 $0x0, s20;
	[sflag:s22] =	ssyncset.done $0x0  }
0xa5: {  	[sflag:s22] =	ssyncadd.s32 s9;
	_ =	sdelay $0x1  }
0xa6: {  	s23 =	simm.s32 $0x1B8B  }
0xa7: {  	_ =	swait.ge [sflag:s23], $0x1  }
0xa8: {  	[sflag:s23] =	ssyncset.done $0x0  }
0xa9: {  	s25 =	simm.s32 $0x1B8E;
	s24 =	sld [smem:$0x3FFE];
	[sflag:s23] =	ssyncadd.s32 $0xFFFFFFFF  }
0xaa: {  	s26 =	simm.s32 $execute0_lowered;
	[smem:$0x3FD2] =	sst s25  }
0xab: {  	s10 =	sshll.u32 s26, $0x1;
	_ =	strace $0x80000046;
	[dreg:$0x1] =	wrdreg $0xFFFFFFFF  }
0xac: {  	s28 =	simm.s32 $_size_execute0_lowered;
	s8 =	sadd.s32 s8, s10;
	[dreg:$0x0] =	wrdreg $0x0  }
0xad: {  	s10 =	sshll.u32 s28, $0x1;
	[dreg:$0x2] =	wrdreg s8  }
0xae: {  	[dreg:$0x3] =	wrdreg s10  }
0xaf: {  	[dreg:$0x4] =	wrdreg $0xC0  }
0xb0: {  	_ =	task [dreg:s12], $0x5FFFF  }
0xb1: {  	[dreg:$0x1] =	wrdreg $0xFFFFFFFF  }
0xb2: {  	[dreg:$0x0] =	wrdreg $0x60  }
0xb3: {  	[dreg:$0x2] =	wrdreg s24  }
0xb4: {  	[dreg:$0x3] =	wrdreg s2  }
0xb5: {  	[dreg:$0x4] =	wrdreg s18  }
0xb6: {  	[dreg:$0x5] =	wrdreg s4  }
0xb7: {  	[dreg:$0x6] =	wrdreg s5  }
0xb8: {  	[dreg:$0x7] =	wrdreg s6  }
0xb9: {  	[dreg:$0x8] =	wrdreg s7  }
0xba: {  	[dreg:$0x9] =	wrdreg $0x9  }
0xbb: {  	_ =	task.clear_ibuf [dreg:s12], $0xAFFFF;
	_ =	strace $0x90000046  }
0xbc: {  	s29 =	simm.s32 $0x9;
	_ =	strace $0x80000048  }
0xbd: {  	_ =	swait.ge [sflag:s29], $0x1  }
0xbe: {  	[sflag:s29] =	ssyncadd.s32 $0xFFFFFFFF  }
0xbf: {  	_ =	strace $0x90000048  }
0xc0: {  	_ =	sfence  }
0xc1: {  	s30 =	sld [smem:$0x0];
	_ =	sdelay $0x2  }
0xc2: {  	s31 =	sshll.u32 s1, $0xD;
	s1 =	sshrl.u32 s1, $0x2  }
0xc3: {  	s3 =	sand.u32 $0x4000, s31;
	s1 =	sadd.s32 s1, s30  }
0xc4: {  	s0 =	sor.u32 s3, s0;
	s1 =	sshll.u32 s1, $0x11  }
0xc5: {  	s0 =	sor.u32 s1, s0  }
0xc6: {  	s0 =	sadd.s32 $0x8F2B, s0  }
0xc7: {  	[sflag:s0] =	ssyncadd.remote.s32 $0x1  }
0xc8: {  	_ =	sfence.sel $0xFFFF  }
0xc9: {  	[dreg:$0x0] =	wrdreg $0xFFFFFFFF;
	(pc) =	sbr.abs _section_cstart, $3  }
0xca: {  	[dreg:$0x1] =	wrdreg $0xFFFFFFFF  }
0xcb: {  	_ =	task.clear_ibuf [dreg:s12], $0x2FFFF;
	_ =	strace $0x9FFFFFFF  }
0xcc: {  	(tm) =	ssettm $0x7FFFFFFF  }
0xcd: {  	_ =	shalt  }
tec
execute0_lowered:
.L_overlay_start_1:
0x0: {  	(tag) =	ssettag $0x1  }
0x1: {  	s0 =	rddreg [dreg:$0x0]  }
0x2: {  	s4 =	rddreg [dreg:$0x4]  }
0x3: {  	s5 =	rddreg [dreg:$0x5]  }
0x4: {  	s6 =	rddreg [dreg:$0x6]  }
0x5: {  	s1 =	srdreg.scid;
	s7 =	simm.s32 $0x0;
	s3 =	stileid.u32  }
0x6: {  	s12 =	simm.s32 $0xEA8;
	s13 =	simm.s32 $0x3;
	s14 =	simm.s32 $0x1028  }
0x7: {  	s15 =	simm.s32 $0x2928;
	s16 =	simm.s32 $0x4228;
	s17 =	simm.s32 $0x4328  }
0x8: {  	s18 =	simm.s32 $0x1;
	s19 =	simm.s32 $0x2;
	s1 =	sand.u32 $0x1, s1  }
0x9: {  	s20 =	simm.s32 $0x0;
	s21 =	simm.s32 $0x0;
	s2 =	ssub.s32 $0x2, s1  }
0xa: {  	[smem:$0x7FF] =	sst s7;
	s31 =	sshll.u32 s3, $0x4;
	s8 =	sshrl.u32 s2, $0x1  }
0xb: {  	s9 =	sadd.s32 $0x800, s0;
	s1 =	sshll.u32 s1, $0x3;
	s2 =	ssub.s32 s2, s8  }
0xc: {  	_ =	strace $0x80000047;
	s10 =	sor.u32 s1, s31;
	s11 =	smax.u32 s2, $0x1  }
.LBB2_1:
0xd: {  	s0 =	rddreg [dreg:$0x1]  }
0xe: {  	[tilespmem:s12], [sflag:$0x3] =	stream.linear.gather [hbm4b:s0+s7], $0x180, $0x38;
	[tilespmem:$0xC128] =	vst v63  }
0xf: {  	_ =	swait.ge [sflag:s13], $0x180  }
0x10: {  	[sflag:s13] =	ssyncset.done $0x0  }
0x11: {  	[sflag:s13] =	ssyncadd.s32 $0xFFFFFE80  }
0x12: {  	[tilespmem:s14], [sflag:$0x3] =	stream.linear.gather [hbm4b:s5+s7], $0x1900, $0x38;
	[tilespmem:$0xC128] =	vst v63  }
0x13: {  	_ =	swait.ge [sflag:s13], $0x1900  }
0x14: {  	[sflag:s13] =	ssyncset.done $0x0  }
0x15: {  	[sflag:s13] =	ssyncadd.s32 $0xFFFFE700  }
0x16: {  	s30 =	rddreg [dreg:$0x3]  }
0x17: {  	[tilespmem:s15], [sflag:$0x3] =	stream.linear.gather [hbm4b:s30+s7], $0xC80, $0x38;
	[tilespmem:$0xC128] =	vst v63  }
0x18: {  	_ =	swait.ge [sflag:s13], $0xC80  }
0x19: {  	[sflag:s13] =	ssyncset.done $0x0  }
0x1a: {  	[sflag:s13] =	ssyncadd.s32 $0xFFFFF380  }
0x1b: {  	[tilespmem:s16], [sflag:$0x3] =	stream.linear.gather [hbm4b:s4+s7], $0x100, $0x38;
	[tilespmem:$0xC128] =	vst v63  }
0x1c: {  	_ =	swait.ge [sflag:s13], $0x100  }
0x1d: {  	[sflag:s13] =	ssyncset.done $0x0  }
0x1e: {  	[sflag:s13] =	ssyncadd.s32 $0xFFFFFF00  }
0x1f: {  	s31 =	rddreg [dreg:$0x2]  }
0x20: {  	[tilespmem:s17], [sflag:$0x3] =	stream.linear.gather [hbm4b:s31+s7], $0x80, $0x38;
	[tilespmem:$0xC128] =	vst v63  }
0x21: {  	_ =	swait.ge [sflag:s13], $0x80  }
0x22: {  	[sflag:s13] =	ssyncset.done $0x0  }
0x23: {  	s0 =	simm.s32 $0x0;
	[sflag:s13] =	ssyncadd.s32 $0xFFFFFF80  }
0x24: {  	s1 =	simm.s32 $0x200;
	v0 =	vld [tilespmem:s0+$0x2928]  }
.LBB2_2:
0x25: {  	p0 =	sne.s32 s1, $0x3000;
	v1 =	vld [tilespmem:$0x4328]  }
0x26: {  	v2 =	vld [tilespmem:$0x4228];
	_ =	sdelay $0x3  }
0x27: {  	v0 =	vadd.f32 v1, v0;
	_ =	sdelay $0x1  }
0x28: {  	v0 =	vadd.f32 v2, v0;
	_ =	sdelay $0x1  }
0x29: {  	[tilespmem:s0+$0x35A8] =	vst v0;
	v0 =	vld [tilespmem:s0+$0x2938]  }
0x2a: {  	v1 =	vld [tilespmem:$0x4338];
	_ =	sdelay $0x1  }
0x2b: {  	v2 =	vld [tilespmem:$0x4238];
	_ =	sdelay $0x2  }
0x2c: {  	v0 =	vadd.f32 v1, v0;
	_ =	sdelay $0x1  }
0x2d: {  	v0 =	vadd.f32 v2, v0;
	_ =	sdelay $0x1  }
0x2e: {  	[tilespmem:s0+$0x35B8] =	vst v0;
	v0 =	vld [tilespmem:s0+$0x2948]  }
0x2f: {  	v1 =	vld [tilespmem:$0x4348];
	_ =	sdelay $0x1  }
0x30: {  	v2 =	vld [tilespmem:$0x4248];
	_ =	sdelay $0x2  }
0x31: {  	v0 =	vadd.f32 v1, v0;
	_ =	sdelay $0x1  }
0x32: {  	v0 =	vadd.f32 v2, v0;
	_ =	sdelay $0x1  }
0x33: {  	[tilespmem:s0+$0x35C8] =	vst v0;
	v0 =	vld [tilespmem:s0+$0x2958]  }
0x34: {  	v1 =	vld [tilespmem:$0x4358];
	_ =	sdelay $0x1  }
0x35: {  	v2 =	vld [tilespmem:$0x4258];
	_ =	sdelay $0x2  }
0x36: {  	v0 =	vadd.f32 v1, v0;
	_ =	sdelay $0x1  }
0x37: {  	v0 =	vadd.f32 v2, v0;
	_ =	sdelay $0x1  }
0x38: {  	[tilespmem:s0+$0x35D8] =	vst v0;
	v0 =	vld [tilespmem:s0+$0x2968]  }
0x39: {  	v1 =	vld [tilespmem:$0x4368];
	_ =	sdelay $0x1  }
0x3a: {  	v2 =	vld [tilespmem:$0x4268];
	_ =	sdelay $0x2  }
0x3b: {  	v0 =	vadd.f32 v1, v0;
	_ =	sdelay $0x1  }
0x3c: {  	v0 =	vadd.f32 v2, v0;
	_ =	sdelay $0x1  }
0x3d: {  	[tilespmem:s0+$0x35E8] =	vst v0;
	v0 =	vld [tilespmem:s0+$0x2978]  }
0x3e: {  	v1 =	vld [tilespmem:$0x4378];
	_ =	sdelay $0x1  }
0x3f: {  	v2 =	vld [tilespmem:$0x4278];
	_ =	sdelay $0x2  }
0x40: {  	v0 =	vadd.f32 v1, v0;
	_ =	sdelay $0x1  }
0x41: {  	v0 =	vadd.f32 v2, v0;
	_ =	sdelay $0x1  }
0x42: {  	[tilespmem:s0+$0x35F8] =	vst v0;
	v0 =	vld [tilespmem:s0+$0x2988]  }
0x43: {  	v1 =	vld [tilespmem:$0x4388]  }
0x44: {  	v2 =	vld [tilespmem:$0x4288];
	_ =	sdelay $0x3  }
0x45: {  	v0 =	vadd.f32 v1, v0;
	_ =	sdelay $0x1  }
0x46: {  	v0 =	vadd.f32 v2, v0;
	_ =	sdelay $0x1  }
0x47: {  	[tilespmem:s0+$0x3608] =	vst v0;
	v0 =	vld [tilespmem:s0+$0x2998]  }
0x48: {  	v1 =	vld [tilespmem:$0x4398]  }
0x49: {  	v2 =	vld [tilespmem:$0x4298];
	_ =	sdelay $0x3  }
.Ltmp0:
0x4a: {  	v0 =	vadd.f32 v1, v0;
	(pc) =	sbr.rel @p0 .LBB2_2-.Ltmp0, $4  }
0x4b: {  	_ = 	snop  }
0x4c: {  	v1 =	vadd.f32 v2, v0  }
0x4d: {  	s2 =	sshra.s32 s1, $0x2  }
0x4e: {  	s1 =	sadd.s32 $0x200, s1;
	v0 =	vld [tilespmem:s2+$0x2928];
	[tilespmem:s0+$0x3618] =	vst v1;
	s0 =	smov.u32 s2  }
0x4f: {  	v1 =	vld [tilespmem:$0x4328];
	_ =	sdelay $0x1  }
0x50: {  	v2 =	vld [tilespmem:$0x4228];
	_ =	sdelay $0x2  }
0x51: {  	v0 =	vadd.f32 v1, v0;
	_ =	sdelay $0x1  }
0x52: {  	v0 =	vadd.f32 v2, v0;
	_ =	sdelay $0x1  }
0x53: {  	v32 =	vld [tilespmem:s0+$0x2938];
	[tilespmem:s0+$0x35A8] =	vst v0  }
0x54: {  	v33 =	vld [tilespmem:$0x4338];
	_ =	sdelay $0x1  }
0x55: {  	v34 =	vld [tilespmem:$0x4238];
	_ =	sdelay $0x2  }
0x56: {  	v0 =	vadd.f32 v33, v32;
	_ =	sdelay $0x1  }
0x57: {  	v0 =	vadd.f32 v34, v0;
	_ =	sdelay $0x1  }
0x58: {  	v35 =	vld [tilespmem:s0+$0x2948];
	[tilespmem:s0+$0x35B8] =	vst v0  }
0x59: {  	v36 =	vld [tilespmem:$0x4348];
	_ =	sdelay $0x1  }
0x5a: {  	v37 =	vld [tilespmem:$0x4248];
	_ =	sdelay $0x2  }
0x5b: {  	v0 =	vadd.f32 v36, v35;
	_ =	sdelay $0x1  }
0x5c: {  	v0 =	vadd.f32 v37, v0;
	_ =	sdelay $0x1  }
0x5d: {  	v38 =	vld [tilespmem:s0+$0x2958];
	[tilespmem:s0+$0x35C8] =	vst v0  }
0x5e: {  	v39 =	vld [tilespmem:$0x4358];
	_ =	sdelay $0x1  }
0x5f: {  	v40 =	vld [tilespmem:$0x4258];
	_ =	sdelay $0x2  }
0x60: {  	v0 =	vadd.f32 v39, v38;
	_ =	sdelay $0x1  }
0x61: {  	v0 =	vadd.f32 v40, v0;
	_ =	sdelay $0x1  }
0x62: {  	v41 =	vld [tilespmem:s0+$0x2968];
	[tilespmem:s0+$0x35D8] =	vst v0  }
0x63: {  	v42 =	vld [tilespmem:$0x4368];
	_ =	sdelay $0x1  }
0x64: {  	v43 =	vld [tilespmem:$0x4268];
	_ =	sdelay $0x2  }
0x65: {  	v0 =	vadd.f32 v42, v41;
	_ =	sdelay $0x1  }
0x66: {  	v0 =	vadd.f32 v43, v0;
	_ =	sdelay $0x1  }
0x67: {  	v44 =	vld [tilespmem:s0+$0x2978];
	[tilespmem:s0+$0x35E8] =	vst v0  }
0x68: {  	v45 =	vld [tilespmem:$0x4378];
	_ =	sdelay $0x1  }
0x69: {  	v46 =	vld [tilespmem:$0x4278];
	_ =	sdelay $0x2  }
0x6a: {  	v0 =	vadd.f32 v45, v44;
	_ =	sdelay $0x1  }
0x6b: {  	v0 =	vadd.f32 v46, v0;
	_ =	sdelay $0x1  }
0x6c: {  	v47 =	vld [tilespmem:s0+$0x2988];
	[tilespmem:s0+$0x35F8] =	vst v0  }
0x6d: {  	v48 =	vld [tilespmem:$0x4388];
	_ =	sdelay $0x1  }
0x6e: {  	v49 =	vld [tilespmem:$0x4288];
	_ =	sdelay $0x2  }
0x6f: {  	v0 =	vadd.f32 v48, v47;
	_ =	sdelay $0x1  }
0x70: {  	v0 =	vadd.f32 v49, v0;
	_ =	sdelay $0x1  }
0x71: {  	v50 =	vld [tilespmem:s0+$0x2998];
	[tilespmem:s0+$0x3608] =	vst v0  }
0x72: {  	v51 =	vld [tilespmem:$0x4398];
	_ =	sdelay $0x1  }
0x73: {  	v52 =	vld [tilespmem:$0x4298];
	_ =	sdelay $0x2  }
0x74: {  	v0 =	vadd.f32 v51, v50;
	_ =	sdelay $0x1  }
0x75: {  	v0 =	vadd.f32 v52, v0;
	_ =	sdelay $0x1  }
0x76: {  	[tilespmem:s0+$0x3618] =	vst v0  }
0x77: {  	v0 =	vld [tilespmem:$0x42A8]  }
0x78: {  	v53 =	vld [tilespmem:$0x4228]  }
0x79: {  	v54 =	vld [tilespmem:$0x42B8]  }
0x7a: {  	v3 =	vld [tilespmem:$0x4238]  }
0x7b: {  	v4 =	vld [tilespmem:$0x42C8]  }
0x7c: {  	v5 =	vld [tilespmem:$0x4248]  }
0x7d: {  	v6 =	vld [tilespmem:$0x42D8]  }
0x7e: {  	v7 =	vld [tilespmem:$0x4258]  }
0x7f: {  	v8 =	vld [tilespmem:$0x42E8]  }
0x80: {  	v9 =	vld [tilespmem:$0x4268]  }
0x81: {  	v10 =	vld [tilespmem:$0x42F8]  }
0x82: {  	v11 =	vld [tilespmem:$0x4278]  }
0x83: {  	v12 =	vld [tilespmem:$0x4308]  }
0x84: {  	v55 =	vld [tilespmem:$0x4288];
	v0 =	vsub.f32 v0, v53  }
0x85: {  	v56 =	vld [tilespmem:$0x4318];
	v2 =	vsub.f32 v54, v3  }
0x86: {  	v58 =	vld [tilespmem:$0x4298];
	v57 =	vsub.f32 v4, v5;
	[tilespmem:$0x43A8] =	vst v0  }
0x87: {  	v59 =	vsub.f32 v6, v7;
	[tilespmem:$0x43B8] =	vst v2  }
0x88: {  	v60 =	vsub.f32 v8, v9;
	[tilespmem:$0x43C8] =	vst v57  }
0x89: {  	v61 =	vsub.f32 v10, v11;
	[tilespmem:$0x43D8] =	vst v59  }
0x8a: {  	v62 =	vsub.f32 v12, v55;
	[tilespmem:$0x43E8] =	vst v60  }
0x8b: {  	v63 =	vsub.f32 v56, v58;
	[tilespmem:$0x43F8] =	vst v61  }
0x8c: {  	[tilespmem:$0x4408] =	vst v62  }
0x8d: {  	p0 =	por $0x0, $0x0;
	s22 =	simm.s32 $0x0;
	s23 =	simm.s32 $0x0;
	[tilespmem:$0x4418] =	vst v63  }
.LBB2_4:
0x8e: {  	s0 =	smul.u32 $0xCD, s23;
	_ =	sdelay $0x1  }
0x8f: {  	s0 =	sshrl.u32 s0, $0xB  }
0x90: {  	s0 =	sand.u32 $0x1F, s0  }
0x91: {  	s1 =	smul.u32 $0xA, s0;
	_ =	sdelay $0x1  }
0x92: {  	s1 =	ssub.s32 s23, s1  }
0x93: {  	s24 =	sand.u32 $0xFF, s1  }
0x94: {  	s25 =	sadd.s32 s0, s10;
	p1 =	sne.s32 s24, $0x0  }
0x95: {  	s0 =	smul.u32 @!p1 $0x1D5, s25;
	_ =	sdelay $0x1  }
0x96: {  	s1 =	simm.s32 @!p1 $0x0;
	s0 =	sadd.s32 @!p1 s9, s0  }
0x97: {  	[tilespmem:s1], [sflag:$0x3] =	stream.linear.gather @!p1 [hbm4b:s0+s1], $0xEA8, $0x38;
	[tilespmem:$0xC128] =	vst v63  }
0x98: {  	s0 =	simm.s32 @!p1 $0x3  }
0x99: {  	_ =	swait.ge @!p1 [sflag:s0], $0xEA8  }
0x9a: {  	s26 =	sand.u32 $0x1, s23;
	p2 =	slt.u32 s23, $0x2;
	[sflag:s0] =	ssyncset.done @!p1 $0x0  }
0x9b: {  	[sflag:s0] =	ssyncadd.s32 @!p1 $0xFFFFF158;
	s0 =	sadd.s32 @!p2 $0x1, s26  }
0x9c: {  	_ =	swait.ge @!p2 [sflag:s0], $0x3E80  }
0x9d: {  	[sflag:s0] =	ssyncset.done @!p2 $0x0  }
0x9e: {  	[sflag:s0] =	ssyncadd.s32 @!p2 $0xFFFFC180  }
0x9f: {  	v0 =	vld [tilespmem:$0xEA8]  }
0xa0: {  	v1 =	vld [tilespmem:$0xEB8]  }
0xa1: {  	v2 =	vld [tilespmem:$0xEC8]  }
0xa2: {  	v3 =	vld [tilespmem:$0xED8]  }
0xa3: {  	v4 =	vld [tilespmem:$0xEE8]  }
0xa4: {  	v5 =	vld [tilespmem:$0xEF8]  }
0xa5: {  	v6 =	vld [tilespmem:$0xF08]  }
0xa6: {  	v7 =	vld [tilespmem:$0xF18]  }
0xa7: {  	v8 =	vld [tilespmem:$0xF28]  }
0xa8: {  	s3 =	smulhi.u32 $0xCCCCCCCD, s23;
	v9 =	vld [tilespmem:$0xF38]  }
0xa9: {  	v10 =	vld [tilespmem:$0xF48]  }
0xaa: {  	s8 =	smul.u32 $0x29, s21;
	s0 =	sshrl.u32 s3, $0x3;
	v11 =	vld [tilespmem:$0xF58]  }
0xab: {  	s0 =	smul.u32 $0xEA6, s0;
	v12 =	vld [tilespmem:$0xF68]  }
0xac: {  	v13 =	vld [tilespmem:$0xF78]  }
0xad: {  	s2 =	sshrl.u32 s8, $0xA;
	v14 =	vld [tilespmem:$0xF88];
	s28 =	ssub.s32 s22, s0  }
0xae: {  	s29 =	smul.u32 $0x5, s24;
	v15 =	vld [tilespmem:$0xF98];
	s0 =	sand.u32 $0x3F, s2;
	v20 =	vmov s28  }
0xaf: {  	v16 =	vld [tilespmem:$0xFA8];
	s3 =	smul.u32 $0x19, s0  }
0xb0: {  	v17 =	vld [tilespmem:$0xFB8];
	s0 =	sadd.s32 s0, s29  }
0xb1: {  	v18 =	vld [tilespmem:$0xFC8];
	v21 =	vadd.s32 $0x1, v20;
	s0 =	sshll.u32 s0, $0x7;
	s1 =	ssub.s32 $0x0, s3  }
0xb2: {  	v23 =	vld [tilespmem:s0+$0x1028];
	s1 =	sand.u32 $0xFF, s1  }
0xb3: {  	v22 =	vadd.s32 $0x2, v20;
	s1 =	sshll.u32 s1, $0x7;
	v31 =	vld.idx.msk [tilespmem:v20+s7+$0x0], $0xffff  }
0xb4: {  	v24 =	vld [tilespmem:s1+$0x35A8]  }
0xb5: {  	v19 =	vld [tilespmem:$0xFD8]  }
0xb6: {  	v32 =	vld.idx.msk [tilespmem:v21+s7+$0x0], $0xffff  }
0xb7: {  	v26 =	vld [tilespmem:$0x43A8]  }
0xb8: {  	v34 =	vld.idx.msk [tilespmem:v22+s7+$0x0], $0xffff  }
0xb9: {  	v27 =	vld [tilespmem:$0x43B8];
	v24 =	vadd.f32 v24, v23;
	v25 =	vmul.f32 v31, v0  }
0xba: {  	v28 =	vld [tilespmem:$0x43C8]  }
0xbb: {  	v30 =	vld [tilespmem:$0x43D8];
	v24 =	vadd.f32 v24, v25;
	v25 =	vmul.f32 v32, v8  }
0xbc: {  	v33 =	vld [tilespmem:$0x43E8]  }
0xbd: {  	v35 =	vld [tilespmem:$0x4408];
	s2 =	simm.s32 $0x1;
	v29 =	vmul.f32 v34, v16;
	v25 =	vadd.f32 v24, v25  }
0xbe: {  	v36 =	vld [tilespmem:$0x4418];
	s2 =	simm.s32 @!p0 $0x0  }
0xbf: {  	s2 =	smul.u32 $0xFA00, s2;
	v20 =	vld [tilespmem:$0xFE8];
	v24 =	vmul.f32 $0.0e+00, v26;
	v25 =	vadd.f32 v25, v29  }
0xc0: {  	v21 =	vld [tilespmem:$0xFF8]  }
0xc1: {  	s2 =	sshrl.u32 s2, $0x2;
	v22 =	vld [tilespmem:$0x1008];
	v25 =	vadd.f32 v25, v24  }
0xc2: {  	s30 =	sadd.s32 $0x4468, s2;
	v23 =	vld [tilespmem:$0x1018]  }
0xc3: {  	v29 =	vld [tilespmem:$0x43F8];
	[tilespmem:s30+$0xFFFFFFC0] =	vst v25  }
0xc4: {  	v25 =	vld [tilespmem:s0+$0x1038]  }
0xc5: {  	v26 =	vld [tilespmem:s1+$0x35B8];
	_ =	sdelay $0x4  }
0xc6: {  	v37 =	vmul.f32 v31, v1;
	v25 =	vadd.f32 v26, v25;
	_ =	sdelay $0x1  }
0xc7: {  	v26 =	vmul.f32 v32, v9;
	v25 =	vadd.f32 v25, v37;
	_ =	sdelay $0x1  }
0xc8: {  	v47 =	vmul.f32 v34, v17;
	v26 =	vadd.f32 v25, v26;
	_ =	sdelay $0x1  }
0xc9: {  	v25 =	vmul.f32 $0.0e+00, v27;
	v26 =	vadd.f32 v26, v47;
	_ =	sdelay $0x1  }
0xca: {  	v26 =	vadd.f32 v26, v25;
	_ =	sdelay $0x1  }
0xcb: {  	[tilespmem:s30+$0xFFFFFFD0] =	vst v26  }
0xcc: {  	v26 =	vld [tilespmem:s0+$0x1048]  }
0xcd: {  	v27 =	vld [tilespmem:s1+$0x35C8];
	_ =	sdelay $0x4  }
0xce: {  	v48 =	vmul.f32 v31, v2;
	v26 =	vadd.f32 v27, v26;
	_ =	sdelay $0x1  }
0xcf: {  	v27 =	vmul.f32 v32, v10;
	v26 =	vadd.f32 v26, v48;
	_ =	sdelay $0x1  }
0xd0: {  	v49 =	vmul.f32 v34, v18;
	v27 =	vadd.f32 v26, v27;
	_ =	sdelay $0x1  }
0xd1: {  	v26 =	vmul.f32 $0.0e+00, v28;
	v27 =	vadd.f32 v27, v49;
	_ =	sdelay $0x1  }
0xd2: {  	v27 =	vadd.f32 v27, v26;
	_ =	sdelay $0x1  }
0xd3: {  	[tilespmem:s30+$0xFFFFFFE0] =	vst v27  }
0xd4: {  	v27 =	vld [tilespmem:s0+$0x1058]  }
0xd5: {  	v28 =	vld [tilespmem:s1+$0x35D8];
	_ =	sdelay $0x4  }
0xd6: {  	v50 =	vmul.f32 v31, v3;
	v27 =	vadd.f32 v28, v27;
	_ =	sdelay $0x1  }
0xd7: {  	v28 =	vmul.f32 v32, v11;
	v27 =	vadd.f32 v27, v50;
	_ =	sdelay $0x1  }
0xd8: {  	v51 =	vmul.f32 v34, v19;
	v28 =	vadd.f32 v27, v28;
	_ =	sdelay $0x1  }
0xd9: {  	v27 =	vmul.f32 $0.0e+00, v30;
	v28 =	vadd.f32 v28, v51;
	_ =	sdelay $0x1  }
0xda: {  	v28 =	vadd.f32 v28, v27;
	_ =	sdelay $0x1  }
0xdb: {  	[tilespmem:s30+$0xFFFFFFF0] =	vst v28  }
0xdc: {  	v28 =	vld [tilespmem:s0+$0x1068]  }
0xdd: {  	v30 =	vld [tilespmem:s1+$0x35E8];
	_ =	sdelay $0x4  }
0xde: {  	v52 =	vmul.f32 v31, v4;
	v28 =	vadd.f32 v30, v28;
	_ =	sdelay $0x1  }
0xdf: {  	v30 =	vmul.f32 v32, v12;
	v28 =	vadd.f32 v28, v52;
	_ =	sdelay $0x1  }
0xe0: {  	v53 =	vmul.f32 v34, v20;
	v30 =	vadd.f32 v28, v30;
	_ =	sdelay $0x1  }
0xe1: {  	v28 =	vmul.f32 $0.0e+00, v33;
	v30 =	vadd.f32 v30, v53;
	_ =	sdelay $0x1  }
0xe2: {  	v30 =	vadd.f32 v30, v28;
	_ =	sdelay $0x1  }
0xe3: {  	[tilespmem:s30+$0x0] =	vst v30  }
0xe4: {  	v30 =	vld [tilespmem:s0+$0x1078]  }
0xe5: {  	v54 =	vld [tilespmem:s1+$0x35F8];
	_ =	sdelay $0x4  }
0xe6: {  	v55 =	vmul.f32 v31, v5;
	v30 =	vadd.f32 v54, v30;
	_ =	sdelay $0x1  }
0xe7: {  	v56 =	vmul.f32 v32, v13;
	v30 =	vadd.f32 v30, v55;
	_ =	sdelay $0x1  }
0xe8: {  	v57 =	vmul.f32 v34, v21;
	v30 =	vadd.f32 v30, v56;
	_ =	sdelay $0x1  }
0xe9: {  	v29 =	vmul.f32 $0.0e+00, v29;
	v30 =	vadd.f32 v30, v57;
	_ =	sdelay $0x1  }
0xea: {  	v30 =	vadd.f32 v30, v29;
	_ =	sdelay $0x1  }
0xeb: {  	[tilespmem:s30+$0x10] =	vst v30  }
0xec: {  	v30 =	vld [tilespmem:s0+$0x1088]  }
0xed: {  	v58 =	vld [tilespmem:s1+$0x3608];
	_ =	sdelay $0x4  }
0xee: {  	v59 =	vmul.f32 v31, v6;
	v30 =	vadd.f32 v58, v30;
	_ =	sdelay $0x1  }
0xef: {  	v60 =	vmul.f32 v32, v14;
	v30 =	vadd.f32 v30, v59;
	_ =	sdelay $0x1  }
0xf0: {  	v61 =	vmul.f32 v34, v22;
	v33 =	vadd.f32 v30, v60;
	_ =	sdelay $0x1  }
0xf1: {  	v30 =	vmul.f32 $0.0e+00, v35;
	v33 =	vadd.f32 v33, v61;
	_ =	sdelay $0x1  }
0xf2: {  	v33 =	vadd.f32 v33, v30;
	_ =	sdelay $0x1  }
0xf3: {  	[tilespmem:s30+$0x20] =	vst v33  }
0xf4: {  	v33 =	vld [tilespmem:s0+$0x1098]  }
0xf5: {  	v62 =	vld [tilespmem:s1+$0x3618];
	_ =	sdelay $0x3  }
0xf6: {  	s8 =	smul.u32 $0xFA00, s26  }
0xf7: {  	v63 =	vmul.f32 v31, v7;
	v35 =	vadd.f32 v62, v33  }
0xf8: {  	v31 =	vmul.f32 $0.0e+00, v36;
	s0 =	sshrl.u32 s8, $0x2  }
0xf9: {  	s8 =	simm.s32 $0x1;
	s1 =	smov.u32 s30;
	s31 =	sadd.s32 $0x4428, s0;
	v33 =	vmul.f32 v32, v15;
	v32 =	vmul.f32 v34, v23;
	v34 =	vadd.f32 v35, v63  }
.LBB2_5:
0xfa: {  	p1 =	sne.s32 s8, $0x7C;
	s28 =	sadd.s32 $0x3, s28;
	s30 =	sadd.s32 $0x80, s30  }
0xfb: {  	s0 =	smul.u32 $0x29, s8;
	s2 =	smov.u32 s8;
	s8 =	sadd.s32 $0x1, s8;
	v33 =	vadd.f32 v34, v33  }
0xfc: {  	_ = 	snop  }
0xfd: {  	s0 =	sshrl.u32 s0, $0xA;
	v32 =	vadd.f32 v33, v32  }
0xfe: {  	s0 =	sand.u32 $0x3F, s0;
	v33 =	vmov s28  }
0xff: {  	s3 =	smul.u32 $0x19, s0;
	s0 =	sadd.s32 s0, s29;
	v32 =	vadd.f32 v32, v31  }
0x100: {  	v34 =	vadd.s32 $0x1, v33  }
0x101: {  	s0 =	sshll.u32 s0, $0x7;
	s2 =	ssub.s32 s2, s3;
	[tilespmem:s1+$0x30] =	vst v32;
	s1 =	smov.u32 s30  }
0x102: {  	v35 =	vadd.s32 $0x2, v33;
	s2 =	sand.u32 $0xFF, s2;
	v36 =	vld [tilespmem:s0+$0x1028]  }
0x103: {  	s2 =	sshll.u32 s2, $0x7;
	v32 =	vld.idx.msk [tilespmem:v33+s7+$0x0], $0xffff  }
0x104: {  	v37 =	vld [tilespmem:s2+$0x35A8]  }
0x105: {  	v33 =	vld.idx.msk [tilespmem:v34+s7+$0x0], $0xffff;
	_ =	sdelay $0x1  }
0x106: {  	v34 =	vld.idx.msk [tilespmem:v35+s7+$0x0], $0xffff;
	_ =	sdelay $0x1  }
0x107: {  	v35 =	vadd.f32 v37, v36;
	v36 =	vmul.f32 v32, v0;
	_ =	sdelay $0x1  }
0x108: {  	v35 =	vadd.f32 v35, v36;
	v36 =	vmul.f32 v33, v8;
	_ =	sdelay $0x1  }
0x109: {  	v35 =	vadd.f32 v35, v36;
	v36 =	vmul.f32 v34, v16;
	_ =	sdelay $0x1  }
0x10a: {  	v35 =	vadd.f32 v35, v36;
	_ =	sdelay $0x1  }
0x10b: {  	v35 =	vadd.f32 v35, v24;
	_ =	sdelay $0x1  }
0x10c: {  	[tilespmem:s30+$0xFFFFFFC0] =	vst v35  }
0x10d: {  	v35 =	vld [tilespmem:s0+$0x1038]  }
0x10e: {  	v36 =	vld [tilespmem:s2+$0x35B8];
	_ =	sdelay $0x3  }
0x10f: {  	v37 =	vmul.f32 v32, v1  }
0x110: {  	v35 =	vadd.f32 v36, v35  }
0x111: {  	v36 =	vmul.f32 v33, v9  }
0x112: {  	v35 =	vadd.f32 v35, v37  }
0x113: {  	v37 =	vmul.f32 v34, v17  }
0x114: {  	v35 =	vadd.f32 v35, v36;
	_ =	sdelay $0x1  }
0x115: {  	v35 =	vadd.f32 v35, v37;
	_ =	sdelay $0x1  }
0x116: {  	v35 =	vadd.f32 v35, v25;
	_ =	sdelay $0x1  }
0x117: {  	[tilespmem:s30+$0xFFFFFFD0] =	vst v35  }
0x118: {  	v35 =	vld [tilespmem:s0+$0x1048]  }
0x119: {  	v36 =	vld [tilespmem:s2+$0x35C8];
	_ =	sdelay $0x2  }
0x11a: {  	v37 =	vmul.f32 v32, v2;
	_ =	sdelay $0x1  }
0x11b: {  	v35 =	vadd.f32 v36, v35;
	v36 =	vmul.f32 v33, v10;
	_ =	sdelay $0x1  }
0x11c: {  	v35 =	vadd.f32 v35, v37;
	v37 =	vmul.f32 v34, v18;
	_ =	sdelay $0x1  }
0x11d: {  	v35 =	vadd.f32 v35, v36;
	_ =	sdelay $0x1  }
0x11e: {  	v35 =	vadd.f32 v35, v37;
	_ =	sdelay $0x1  }
0x11f: {  	v35 =	vadd.f32 v35, v26;
	_ =	sdelay $0x1  }
0x120: {  	[tilespmem:s30+$0xFFFFFFE0] =	vst v35  }
0x121: {  	v35 =	vld [tilespmem:s0+$0x1058]  }
0x122: {  	v36 =	vld [tilespmem:s2+$0x35D8];
	_ =	sdelay $0x1  }
0x123: {  	v37 =	vmul.f32 v32, v3;
	_ =	sdelay $0x1  }
0x124: {  	v38 =	vmul.f32 v33, v11  }
0x125: {  	v35 =	vadd.f32 v36, v35  }
0x126: {  	v36 =	vmul.f32 v34, v19  }
0x127: {  	v35 =	vadd.f32 v35, v37;
	_ =	sdelay $0x1  }
0x128: {  	v35 =	vadd.f32 v35, v38;
	_ =	sdelay $0x1  }
0x129: {  	v35 =	vadd.f32 v35, v36;
	_ =	sdelay $0x1  }
0x12a: {  	v35 =	vadd.f32 v35, v27;
	_ =	sdelay $0x1  }
0x12b: {  	[tilespmem:s30+$0xFFFFFFF0] =	vst v35  }
0x12c: {  	v35 =	vld [tilespmem:s0+$0x1068]  }
0x12d: {  	v36 =	vld [tilespmem:s2+$0x35E8]  }
0x12e: {  	v37 =	vmul.f32 v32, v4;
	_ =	sdelay $0x1  }
0x12f: {  	v38 =	vmul.f32 v33, v12;
	_ =	sdelay $0x1  }
0x130: {  	v35 =	vadd.f32 v36, v35;
	v36 =	vmul.f32 v34, v20;
	_ =	sdelay $0x1  }
0x131: {  	v35 =	vadd.f32 v35, v37;
	_ =	sdelay $0x1  }
0x132: {  	v35 =	vadd.f32 v35, v38;
	_ =	sdelay $0x1  }
0x133: {  	v35 =	vadd.f32 v35, v36;
	_ =	sdelay $0x1  }
0x134: {  	v35 =	vadd.f32 v35, v28;
	_ =	sdelay $0x1  }
0x135: {  	[tilespmem:s30+$0x0] =	vst v35  }
0x136: {  	v35 =	vld [tilespmem:s0+$0x1078]  }
0x137: {  	v37 =	vmul.f32 v32, v5;
	v36 =	vld [tilespmem:s2+$0x35F8];
	_ =	sdelay $0x1  }
0x138: {  	v38 =	vmul.f32 v33, v13;
	_ =	sdelay $0x1  }
0x139: {  	v39 =	vmul.f32 v34, v21  }
0x13a: {  	v35 =	vadd.f32 v36, v35;
	_ =	sdelay $0x1  }
0x13b: {  	v35 =	vadd.f32 v35, v37;
	_ =	sdelay $0x1  }
0x13c: {  	v35 =	vadd.f32 v35, v38;
	_ =	sdelay $0x1  }
0x13d: {  	v35 =	vadd.f32 v35, v39;
	_ =	sdelay $0x1  }
0x13e: {  	v35 =	vadd.f32 v35, v29;
	_ =	sdelay $0x1  }
0x13f: {  	[tilespmem:s30+$0x10] =	vst v35  }
0x140: {  	v36 =	vmul.f32 v32, v6;
	v35 =	vld [tilespmem:s0+$0x1088]  }
0x141: {  	v37 =	vld [tilespmem:s2+$0x3608]  }
0x142: {  	v38 =	vmul.f32 v33, v14;
	_ =	sdelay $0x1  }
0x143: {  	v39 =	vmul.f32 v34, v22;
	_ =	sdelay $0x1  }
0x144: {  	v35 =	vadd.f32 v37, v35;
	_ =	sdelay $0x1  }
0x145: {  	v35 =	vadd.f32 v35, v36;
	_ =	sdelay $0x1  }
0x146: {  	v35 =	vadd.f32 v35, v38;
	_ =	sdelay $0x1  }
0x147: {  	v35 =	vadd.f32 v35, v39;
	_ =	sdelay $0x1  }
0x148: {  	v35 =	vadd.f32 v35, v30;
	_ =	sdelay $0x1  }
0x149: {  	[tilespmem:s30+$0x20] =	vst v35;
	v35 =	vmul.f32 v32, v7  }
0x14a: {  	v36 =	vld [tilespmem:s0+$0x1098]  }
0x14b: {  	v33 =	vmul.f32 v33, v15;
	v37 =	vld [tilespmem:s2+$0x3618];
	_ =	sdelay $0x1  }
0x14c: {  	v32 =	vmul.f32 v34, v23  }
.Ltmp1:
0x14d: {  	(pc) =	sbr.rel @p1 .LBB2_5-.Ltmp1, $3  }
0x14e: {  	_ = 	snop  }
0x14f: {  	v34 =	vadd.f32 v37, v36;
	_ =	sdelay $0x1  }
0x150: {  	v34 =	vadd.f32 v34, v35  }
0x151: {  	_ = 	snop  }
0x152: {  	v0 =	vadd.f32 v34, v33  }
0x153: {  	s0 =	smul.u32 $0x27100, s25;
	s23 =	sadd.s32 $0x1, s23  }
0x154: {  	s2 =	smul.u32 $0x3E80, s24;
	p1 =	sne.s32 s23, $0x50;
	v0 =	vadd.f32 v0, v32  }
.Ltmp2:
0x155: {  	_ = 	snop;
	(pc) =	sbr.rel @p1 .LBB2_4-.Ltmp2, $4  }
0x156: {  	s0 =	sadd.s32 s2, s0;
	v0 =	vadd.f32 v0, v31  }
0x157: {  	s30 =	sadd.s32 $0x1, s26;
	s0 =	sshrl.u32 s0, $0x3  }
0x158: {  	s22 =	sadd.s32 $0x177, s22;
	p0 =	por !p0, !p0;
	s0 =	sadd.s32 s6, s0;
	[tilespmem:s1+$0x30] =	vst v0  }
0x159: {  	[hbm4b:s0+s7] =	stream.linear.scatter [tilespmem:s31], [sflag:s30], $0x3E80, $0x38;
	[tilespmem:$0xC128] =	vst v63  }
0x15a: {  	s20 =	sadd.s32 $0x1, s20  }
0x15b: {  	_ =	swait.ge [sflag:s18], $0x3E80;
	p0 =	sne.s32 s20, s11  }
.Ltmp3:
0x15c: {  	[sflag:s18] =	ssyncset.done $0x0;
	(pc) =	sbr.rel @p0 .LBB2_1-.Ltmp3, $4  }
0x15d: {  	[sflag:s18] =	ssyncadd.s32 $0xFFFFC180  }
0x15e: {  	_ =	swait.ge [sflag:s19], $0x3E80  }
0x15f: {  	[sflag:s19] =	ssyncset.done $0x0  }
0x160: {  	[sflag:s19] =	ssyncadd.s32 $0xFFFFC180  }
0x161: {  	_ =	sfence.sel $0x180000  }
0x162: {  	[bflag:$0x0] =	sbarrier.arrive $0xFFFF  }
0x163: {  	_ =	strace $0x90000047  }
0x164: {  	s0 =	stileid.u32;
	[bflag:$0x2] =	sbarrier.arrive $0xFFFF  }
0x165: {  	p0 =	sne.s32 s0, $0x0;
	s0 =	rddreg [dreg:$0x7]  }
0x166: {  	s0 =	sadd.s32 @!p0 $0x100000, s0  }
0x167: {  	[sflag:s0] =	ssyncadd.tile.s32 @!p0 $0x1;
	_ =	shalt  }
.Lfunc_end2:
_tile_overlayer_lowered:
.L_overlay_start_2:
0x168: {  	(tag) =	ssettag $0x2  }
0x169: {  	s0 =	rddreg [dreg:$0x0];
	s2 =	stileid.u32  }
0x16a: {  	s1 =	rddreg [dreg:$0x1];
	p0 =	sne.s32 s2, $0x0  }
0x16b: {  	s3 =	rddreg [dreg:$0x2];
	[bflag:$0x3] =	sbarrier.arrive $0xFFFF;
	s2 =	simm.s32 @!p0 $0x1C03  }
0x16c: {  	[timem:s3], [sflag:s2] =	dma.local @!p0 [hbm:s0], s1  }
0x16d: {  	s0 =	simm.s32 @!p0 $0x3  }
0x16e: {  	_ =	swait.ge @!p0 [sflag:s0], s1  }
0x16f: {  	s1 =	ssub.s32 @!p0 $0x0, s1;
	[sflag:s0] =	ssyncset.done @!p0 $0x0  }
0x170: {  	[sflag:s0] =	ssyncadd.s32 @!p0 s1  }
0x171: {  	[bflag:$0x3] =	sbarrier.arrive $0xFFFF  }
0x172: {  	_ =	shalt  }

// kernel: sparse-core-data-format-call.cloned.1.call-start
scs
called_computation_lowered:
.L_overlay_start_0:
0x0: {  	s2 =	sld [smem:$0x3FD9]  }
0x1: {  	s3 =	sld [smem:$0x3FFE];
	_ =	sdelay $0x1  }
0x2: {  	s1 =	srdreg.scid  }
0x3: {  	s0 =	sand.u32 $0x1, s1  }
0x4: {  	s18 =	sshll.u32 s0, $0xA;
	s2 =	sadd.s32 s3, s2  }
0x5: {  	s2 =	sadd.s32 s2, s18  }
0x6: {  	[smem:$0x3FC2] =	sst s2  }
0x7: {  	_ = 	snop  }
0x8: {  	s2 =	sld [smem:$0x3FD0];
	(tm) =	ssettm $0x1  }
0x9: {  	s19 =	sld [smem:$0x3FFB];
	_ =	sdelay $0x3  }
0xa: {  	_ =	strace s19  }
0xb: {  	s3 =	sld [smem:$0x3FFC];
	_ =	sdelay $0x3  }
0xc: {  	_ =	strace s3  }
0xd: {  	s3 =	sld [smem:$0x3FFD];
	_ =	sdelay $0x3  }
0xe: {  	_ =	strace s3  }
0xf: {  	_ =	strace $0x8FFFFFFF  }
0x10: {  	s20 =	sld [smem:$0x3FDB];
	_ =	sdelay $0x1  }
0x11: {  	s4 =	simm.s32 $_scs_section_size  }
0x12: {  	s5 =	simm.s32 $_size__tile_overlayer_lowered;
	s6 =	simm.s32 $_tile_overlayer_lowered  }
0x13: {  	s23 =	simm.s32 $0x1BFF;
	s22 =	sshll.u32 s6, $0x1;
	s3 =	sadd.s32 s4, s20  }
0x14: {  	s7 =	simm.s32 $0x0;
	s21 =	sshll.u32 s5, $0x1;
	s5 =	sadd.s32 s22, s3  }
0x15: {  	[timem:s7], [sflag:s23] =	dma.local [hbm:s5], s21  }
0x16: {  	_ =	swait.ge [sflag:s23], s21  }
0x17: {  	s4 =	ssub.s32 $0x0, s21;
	[sflag:s23] =	ssyncset.done $0x0  }
0x18: {  	[sflag:s23] =	ssyncadd.s32 s4;
	_ =	sdelay $0x1  }
0x19: {  	s24 =	simm.s32 $0x1B8B  }
0x1a: {  	_ =	swait.ge [sflag:s24], $0x1  }
0x1b: {  	[sflag:s24] =	ssyncset.done $0x0  }
0x1c: {  	s26 =	simm.s32 $0x1B8E;
	s25 =	sld [smem:$0x3FFE];
	[sflag:s24] =	ssyncadd.s32 $0xFFFFFFFF  }
0x1d: {  	s27 =	simm.s32 $execute0_lowered;
	[smem:$0x3FD2] =	sst s26  }
0x1e: {  	s5 =	sshll.u32 s27, $0x1;
	_ =	strace $0x80000049;
	[dreg:$0x1] =	wrdreg $0xFFFFFFFF  }
0x1f: {  	s28 =	simm.s32 $_size_execute0_lowered;
	s3 =	sadd.s32 s3, s5;
	[dreg:$0x0] =	wrdreg $0x0  }
0x20: {  	s5 =	sshll.u32 s28, $0x1;
	[dreg:$0x2] =	wrdreg s3  }
0x21: {  	[dreg:$0x3] =	wrdreg s5  }
0x22: {  	[dreg:$0x4] =	wrdreg $0xC0  }
0x23: {  	_ =	task [dreg:s7], $0x5FFFF  }
0x24: {  	[dreg:$0x1] =	wrdreg $0xFFFFFFFF  }
0x25: {  	[dreg:$0x0] =	wrdreg $0x60  }
0x26: {  	[dreg:$0x2] =	wrdreg s25  }
0x27: {  	[dreg:$0x3] =	wrdreg s2  }
0x28: {  	[dreg:$0x4] =	wrdreg $0x9  }
0x29: {  	_ =	task.clear_ibuf [dreg:s7], $0x5FFFF;
	_ =	strace $0x90000049  }
0x2a: {  	s29 =	simm.s32 $0x9;
	_ =	strace $0x8000004B  }
0x2b: {  	_ =	swait.ge [sflag:s29], $0x1  }
0x2c: {  	[sflag:s29] =	ssyncadd.s32 $0xFFFFFFFF  }
0x2d: {  	_ =	strace $0x9000004B  }
0x2e: {  	_ =	sfence  }
0x2f: {  	s30 =	sld [smem:$0x0];
	_ =	sdelay $0x2  }
0x30: {  	s31 =	sshll.u32 s1, $0xD;
	s1 =	sshrl.u32 s1, $0x2  }
0x31: {  	s3 =	sand.u32 $0x4000, s31;
	s1 =	sadd.s32 s1, s30  }
0x32: {  	s0 =	sor.u32 s3, s0;
	s1 =	sshll.u32 s1, $0x11  }
0x33: {  	s0 =	sor.u32 s1, s0  }
0x34: {  	s0 =	sadd.s32 $0x8F2B, s0  }
0x35: {  	[sflag:s0] =	ssyncadd.remote.s32 $0x1  }
0x36: {  	_ =	sfence.sel $0xFFFF  }
0x37: {  	[dreg:$0x0] =	wrdreg $0xFFFFFFFF;
	(pc) =	sbr.abs _section_cstart, $3  }
0x38: {  	[dreg:$0x1] =	wrdreg $0xFFFFFFFF  }
0x39: {  	_ =	task.clear_ibuf [dreg:s7], $0x2FFFF;
	_ =	strace $0x9FFFFFFF  }
0x3a: {  	(tm) =	ssettm $0x7FFFFFFF  }
0x3b: {  	_ =	shalt  }
tec
execute0_lowered:
.L_overlay_start_1:
0x0: {  	(tag) =	ssettag $0x1  }
0x1: {  	s1 =	srdreg.scid;
	s7 =	rddreg [dreg:$0x0]  }
0x2: {  	s0 =	stileid.u32;
	s2 =	rddreg [dreg:$0x1];
	s31 =	simm.s32 $0x2  }
0x3: {  	s14 =	simm.s32 $0x0;
	s15 =	simm.s32 $0x0;
	s1 =	sshll.u32 s1, $0x4  }
0x4: {  	s13 =	simm.s32 $0x0;
	s3 =	sshll.u32 s0, $0x6;
	s1 =	sor.u32 s0, s1  }
0x5: {  	s3 =	sand.u32 $0xC0, s3;
	s4 =	sshrl.u32 s1, $0x1;
	s1 =	rddreg [dreg:$0x2]  }
0x6: {  	s5 =	ssub.s32 $0x100, s3;
	_ =	strace $0x8000004A;
	s4 =	sand.u32 $0xE, s4  }
0x7: {  	s6 =	sand.u32 $0xC0, s5;
	s10 =	sshrl.u32 s5, $0x8;
	s8 =	ssub.s32 $0x4E2, s4  }
0x8: {  	p0 =	sne.s32 s6, $0x0;
	s6 =	simm.s32 $0x1;
	s9 =	sand.u32 $0xE, s8  }
0x9: {  	s6 =	simm.s32 @!p0 $0x0;
	p0 =	sne.s32 s9, $0x0;
	s9 =	simm.s32 $0x1  }
.Ltmp0:
0xa: {  	s8 =	sshrl.u32 s8, $0x4;
	s9 =	simm.s32 @!p0 $0x0;
	(pc) =	sbr.rel .LBB1_1-.Ltmp0, $4  }
0xb: {  	s5 =	simm.s32 $0x1;
	s6 =	sadd.s32 s6, s10;
	s8 =	sadd.s32 s9, s8  }
0xc: {  	s7 =	sadd.s32 $0x800, s7;
	[sflag:s5] =	ssyncpa.u1 $0x0;
	s6 =	smul.u32 s6, s8  }
0xd: {  	s12 =	smov.u32 s3;
	s11 =	smov.u32 s4;
	[sflag:s31] =	ssyncpa.u1 $0x0  }
0xe: {  	s10 =	simm.s32 $0x8000;
	s9 =	simm.s32 $0x2000;
	s8 =	sadd.s32 $0x1, s6  }
.LBB1_7:
0xf: {  	s16 =	sadd.s32 $0x10, s11  }
0x10: {  	s14 =	sadd.s32 $0x100, s12;
	s18 =	smov.u32 s12;
	p1 =	sgt.s32 s16, $0x4E1  }
0x11: {  	s18 =	smov.u32 @p1 s14  }
0x12: {  	s16 =	smov.u32 @p1 s4;
	p1 =	sgt.s32 s18, $0xFF  }
0x13: {  	s18 =	smov.u32 @p1 s3;
	p1 =	sne.s32 s13, s8  }
.Ltmp1:
0x14: {  	p0 =	slt.u32 s13, $0x2;
	(pc) =	sbr.rel @!p1 .LBB1_8-.Ltmp1, $4  }
0x15: {  	s17 =	simm.s32 @!p0 $0x2  }
0x16: {  	s15 =	smov.u32 s12;
	_ =	swait.ge @!p0 [sflag:s17], $0x4000  }
0x17: {  	s14 =	smov.u32 s11;
	[sflag:s17] =	ssyncset.done @!p0 $0x0;
	s11 =	smov.u32 s16  }
0x18: {  	s13 =	sadd.s32 $0x1, s13;
	[sflag:s17] =	ssyncadd.s32 @!p0 $0xFFFFC000;
	s12 =	smov.u32 s18  }
.LBB1_1:
0x19: {  	p0 =	sge.u32 s13, s6  }
0x1a: {  	s16 =	sand.u32 @!p0 $0x1FFFFFF, s11  }
0x1b: {  	s17 =	smulhi.u32 @!p0 $0x342DA8, s16;
	_ =	sdelay $0x1  }
0x1c: {  	s17 =	smul.u32 @!p0 $0x4E8, s17  }
0x1d: {  	s18 =	sxor.u32 @!p0 $0xFFFFFFFF, s13;
	s19 =	smul.u32 @!p0 $0x4E80, s12  }
0x1e: {  	s31 =	sadd.s32 $0xFFFFFFFF, s13;
	s18 =	sshll.u32 @!p0 s18, $0xE;
	s16 =	ssub.s32 @!p0 s16, s17  }
0x1f: {  	s17 =	sand.u32 @!p0 $0x4000, s18;
	s18 =	sadd.s32 @!p0 s7, s19;
	s16 =	sshll.u32 @!p0 s16, $0x4  }
0x20: {  	s19 =	simm.s32 @!p0 $0x27400;
	s16 =	sadd.s32 @!p0 s16, s18;
	s18 =	simm.s32 @!p0 $0x100  }
0x21: {  	[tilespmem:s17], [sflag:$0x1] =	stream.strided.gather @!p0 [hbm4b:s16+s18], $0x4000, s19, s18, $0x38;
	[tilespmem:$0x10000] =	vst v63  }
0x22: {  	p0 =	sge.u32 s31, s6  }
.Ltmp2:
0x23: {  	_ = 	snop;
	(pc) =	sbr.rel @p0 .LBB1_7-.Ltmp2, $1  }
0x24: {  	_ =	sdelay $0x3  }
0x25: {  	_ =	swait.ge [sflag:s5], $0x4000;
	s16 =	sshll.u32 s13, $0xE  }
0x26: {  	[sflag:s5] =	ssyncset.done $0x0;
	s17 =	sand.u32 $0x4000, s16  }
0x27: {  	s18 =	simm.s32 $0x0;
	[sflag:s5] =	ssyncadd.s32 $0xFFFFC000;
	s16 =	sor.u32 $0x8000, s17  }
.LBB1_3:
0x28: {  	s19 =	sshll.u32 s18, $0x8  }
0x29: {  	s19 =	sand.u32 $0x3FFFFF00, s19  }
0x2a: {  	s20 =	sshll.u32 s18, $0x7;
	s19 =	sadd.s32 s19, s17  }
0x2b: {  	s20 =	sand.u32 $0x3FFFFF80, s20;
	v0 =	vmov s19  }
0x2c: {  	s20 =	sadd.s32 s20, s16  }
0x2d: {  	p0 =	por $0x1, $0x1;
	v1 =	vmov s20;
	s19 =	simm.s32 $0x0  }
.LBB1_4:
0x2e: {  	s20 =	sshll.u32 s19, $0x7  }
0x2f: {  	s20 =	sand.u32 $0x3FFFFF80, s20  }
0x30: {  	v2 =	vld.idx.msk [tilespmem:v0+s20+$0x0 ss:$0x1], $0xffff  }
0x31: {  	v3 =	vld.idx.msk [tilespmem:v0+s20+$0x10 ss:$0x1], $0xffff  }
0x32: {  	v4 =	vld.idx.msk [tilespmem:v0+s20+$0x20 ss:$0x1], $0xffff  }
0x33: {  	s31 =	sshll.u32 s19, $0xD;
	v5 =	vld.idx.msk [tilespmem:v0+s20+$0x30 ss:$0x1], $0xffff  }
0x34: {  	s19 =	sand.u32 $0x3FFFE000, s31;
	v6 =	vld.idx.msk [tilespmem:v0+s20+$0x40 ss:$0x1], $0xffff  }
0x35: {  	v63 =	vld.idx.msk [tilespmem:v0+s20+$0x70 ss:$0x1], $0xffff;
	[tilespmem:v1+s19+$0x0 ss:$0x1] =	vst.idx.msk $0xffff, v2  }
0x36: {  	v2 =	vld.idx.msk [tilespmem:v0+s20+$0x50 ss:$0x1], $0xffff;
	[tilespmem:v1+s19+$0x10 ss:$0x1] =	vst.idx.msk $0xffff, v3  }
0x37: {  	p1 =	por p0, p0;
	v3 =	vld.idx.msk [tilespmem:v0+s20+$0x60 ss:$0x1], $0xffff;
	[tilespmem:v1+s19+$0x20 ss:$0x1] =	vst.idx.msk $0xffff, v4  }
.Ltmp3:
0x38: {  	[tilespmem:v1+s19+$0x30 ss:$0x1] =	vst.idx.msk $0xffff, v5;
	(pc) =	sbr.rel @p1 .LBB1_4-.Ltmp3, $4  }
0x39: {  	[tilespmem:v1+s19+$0x40 ss:$0x1] =	vst.idx.msk $0xffff, v6  }
0x3a: {  	[tilespmem:v1+s19+$0x70 ss:$0x1] =	vst.idx.msk $0xffff, v63  }
0x3b: {  	[tilespmem:v1+s19+$0x50 ss:$0x1] =	vst.idx.msk $0xffff, v2  }
0x3c: {  	p0 =	por $0x0, $0x0;
	[tilespmem:v1+s19+$0x60 ss:$0x1] =	vst.idx.msk $0xffff, v3;
	s19 =	simm.s32 $0x1  }
0x3d: {  	s18 =	sadd.s32 $0x1, s18  }
0x3e: {  	p0 =	sne.s32 s18, $0x40  }
.Ltmp4:
0x3f: {  	_ = 	snop;
	(pc) =	sbr.rel @p0 .LBB1_3-.Ltmp4, $1  }
0x40: {  	_ =	sdelay $0x3  }
.Ltmp5:
0x41: {  	s15 =	sshll.u32 s15, $0x4;
	(pc) =	sbr.rel .LBB1_7-.Ltmp5, $4  }
0x42: {  	s15 =	sand.u32 $0xFF0, s15  }
0x43: {  	s14 =	sshll.u32 s14, $0xC;
	s15 =	sadd.s32 s2, s15  }
0x44: {  	s14 =	sadd.s32 s14, s15  }
0x45: {  	[hbm4b:s14+s9] =	stream.strided.scatter [tilespmem:s16], [sflag:$0x2], $0x4000, s10, s9, $0x38;
	[tilespmem:$0x10000] =	vst v63  }
.LBB1_8:
0x46: {  	_ =	sfence.sel $0x180000  }
0x47: {  	s2 =	simm.s32 $0x1;
	[bflag:$0x0] =	sbarrier.arrive $0xFFFF  }
0x48: {  	s31 =	simm.s32 $0x2;
	[sflag:s2] =	ssyncpa.u1 $0x1  }
0x49: {  	[sflag:s31] =	ssyncpa.u1 $0x1  }
0x4a: {  	p0 =	sne.s32 s0, $0x0;
	_ =	strace $0x9000004A  }
0x4b: {  	s0 =	sadd.s32 @!p0 $0x100000, s1;
	[bflag:$0x2] =	sbarrier.arrive $0xFFFF  }
0x4c: {  	[sflag:s0] =	ssyncadd.tile.s32 @!p0 $0x1;
	_ =	shalt  }
.Lfunc_end1:
_tile_overlayer_lowered:
.L_overlay_start_2:
0x4d: {  	(tag) =	ssettag $0x2  }
0x4e: {  	s0 =	rddreg [dreg:$0x0];
	s2 =	stileid.u32  }
0x4f: {  	s1 =	rddreg [dreg:$0x1];
	p0 =	sne.s32 s2, $0x0  }
0x50: {  	s3 =	rddreg [dreg:$0x2];
	[bflag:$0x3] =	sbarrier.arrive $0xFFFF;
	s2 =	simm.s32 @!p0 $0x1C01  }
0x51: {  	[timem:s3], [sflag:s2] =	dma.local @!p0 [hbm:s0], s1  }
0x52: {  	s0 =	simm.s32 @!p0 $0x1  }
0x53: {  	_ =	swait.ge @!p0 [sflag:s0], s1  }
0x54: {  	s1 =	ssub.s32 @!p0 $0x0, s1;
	[sflag:s0] =	ssyncset.done @!p0 $0x0  }
0x55: {  	[sflag:s0] =	ssyncadd.s32 @!p0 s1  }
0x56: {  	[bflag:$0x3] =	sbarrier.arrive $0xFFFF  }
0x57: {  	_ =	shalt  }

</sc_bundles>
